<compile_context>
chip_gen: v7x
topology: tpu7x:2x2x1
jax: 0.10.2.dev20260603
libtpu: 0.0.44.dev20260713+nightly
codegen_flags: <defaults>
</compile_context>

<pallas_src>
import functools

import jax
import jax.numpy as jnp
from jax import lax
from jax.experimental import pallas as pl
from jax.experimental.pallas import tpu as pltpu, tpu_sc as plsc

_INFO = plsc.get_sparse_core_info()
_NC = _INFO.num_cores
_NS = _INFO.num_subcores
_NW = _NC * _NS
_L = _INFO.num_lanes

_ROWS, _COLS = 128, 32768
_SC_ROWS = 48
_TC_ROWS = _ROWS - _SC_ROWS
_CHUNK = _SC_ROWS * _COLS // _NW
_PIECE = 16384
_NPIECES = _CHUNK // _PIECE
_U = 8
_STEPS_PER_PIECE = _PIECE // _L
_I32MAX = 2**31 - 1

_TC_BLOCK_ROWS = 16
_TC_BLOCK_COLS = 16384
_TC_STEPS = _TC_ROWS // _TC_BLOCK_ROWS

_mesh = plsc.VectorSubcoreMesh(core_axis_name="c", subcore_axis_name="s")


@functools.partial(
    pl.kernel,
    mesh=_mesh,
    out_type=[
        jax.ShapeDtypeStruct((_NW, _L), jnp.float32),
        jax.ShapeDtypeStruct((_NW, _L), jnp.int32),
    ],
    scratch_types=[
        pltpu.VMEM((_PIECE,), jnp.float32),
        pltpu.VMEM((_PIECE,), jnp.float32),
        pltpu.VMEM((_PIECE,), jnp.float32),
        pltpu.VMEM((_L,), jnp.float32),
        pltpu.VMEM((_L,), jnp.int32),
        pltpu.SemaphoreType.DMA,
        pltpu.SemaphoreType.DMA,
        pltpu.SemaphoreType.DMA,
    ],
)
def _sc_scan(x_hbm, vals_hbm, idxs_hbm, buf0, buf1, buf2, st_v, st_i,
             sem0, sem1, sem2):
    wid = lax.axis_index("c") * _NS + lax.axis_index("s")
    base = wid * _CHUNK

    pieces_per_row = _COLS // _PIECE

    def piece_src(p):
        tp = wid * _NPIECES + p
        r = tp // pieces_per_row
        cb = (tp % pieces_per_row) * _PIECE
        cb = pl.multiple_of(cb, _PIECE)
        return x_hbm.at[r, pl.ds(cb, _PIECE)]

    bufs = (buf0, buf1, buf2)
    sems = (sem0, sem1, sem2)
    nbuf = len(bufs)
    cps = [
        pltpu.async_copy(piece_src(p), bufs[p % nbuf], sems[p % nbuf])
        for p in range(min(nbuf, _NPIECES))
    ]

    iota = lax.iota(jnp.int32, _L)
    bv = jnp.full((_L,), -jnp.inf, jnp.float32)
    bt = jnp.zeros((_L,), jnp.int32)

    for p in range(_NPIECES):
        buf = bufs[p % nbuf]
        cps[p % nbuf].wait()

        def body(i, carry, _p=p, _buf=buf):
            bv, bt = carry
            for u in range(_U):
                v = _buf[pl.ds((i * _U + u) * _L, _L)]
                s = _p * _STEPS_PER_PIECE + i * _U + u
                m = v > bv
                bv = jnp.maximum(bv, v)
                bt = jnp.where(m, s, bt)
            return bv, bt

        bv, bt = lax.fori_loop(0, _STEPS_PER_PIECE // _U, body, (bv, bt))

        if p + nbuf < _NPIECES:
            cps[p % nbuf] = pltpu.async_copy(
                piece_src(p + nbuf), buf, sems[p % nbuf]
            )

    st_v[...] = bv
    st_i[...] = bt * _L + iota + base
    pltpu.sync_copy(st_v, vals_hbm.at[wid])
    pltpu.sync_copy(st_i, idxs_hbm.at[wid])


def _tc_scan_body(x_ref, vals_ref, idxs_ref, mv, mi):
    j = pl.program_id(0)
    k = pl.program_id(1)

    @pl.when((j == 0) & (k == 0))
    def _():
        mv[...] = jnp.full((_TC_BLOCK_ROWS, 128), -jnp.inf, jnp.float32)
        mi[...] = jnp.zeros((_TC_BLOCK_ROWS, 128), jnp.int32)

    ibase = (
        lax.broadcasted_iota(jnp.int32, (_TC_BLOCK_ROWS, 128), 0) * _COLS
        + lax.broadcasted_iota(jnp.int32, (_TC_BLOCK_ROWS, 128), 1)
        + (_SC_ROWS * _COLS + j * (_TC_BLOCK_ROWS * _COLS) + k * _TC_BLOCK_COLS)
    )
    bv = mv[...]
    bi = mi[...]
    for sc in range(_TC_BLOCK_COLS // 128):
        sub = x_ref[:, pl.ds(sc * 128, 128)]
        m = sub > bv
        bv = jnp.maximum(bv, sub)
        bi = jnp.where(m, ibase + sc * 128, bi)
    mv[...] = bv
    mi[...] = bi

    @pl.when((j == _TC_STEPS - 1) & (k == _COLS // _TC_BLOCK_COLS - 1))
    def _():
        vals_ref[...] = bv
        idxs_ref[...] = bi


def _tc_scan(x):
    return pl.pallas_call(
        _tc_scan_body,
        grid=(_TC_STEPS, _COLS // _TC_BLOCK_COLS),
        in_specs=[
            pl.BlockSpec(
                (_TC_BLOCK_ROWS, _TC_BLOCK_COLS),
                lambda j, k: (j + _SC_ROWS // _TC_BLOCK_ROWS, k),
            )
        ],
        out_specs=[
            pl.BlockSpec((_TC_BLOCK_ROWS, 128), lambda j, k: (0, 0)),
            pl.BlockSpec((_TC_BLOCK_ROWS, 128), lambda j, k: (0, 0)),
        ],
        out_shape=[
            jax.ShapeDtypeStruct((_TC_BLOCK_ROWS, 128), jnp.float32),
            jax.ShapeDtypeStruct((_TC_BLOCK_ROWS, 128), jnp.int32),
        ],
        scratch_shapes=[
            pltpu.VMEM((_TC_BLOCK_ROWS, 128), jnp.float32),
            pltpu.VMEM((_TC_BLOCK_ROWS, 128), jnp.int32),
        ],
    )(x)


def _merge_body(scv_ref, sci_ref, tcv_ref, tci_ref, out_ref):
    scv = scv_ref[...]
    sci = sci_ref[...]
    tcv = tcv_ref[...]
    tci = tci_ref[...]
    mx = jnp.maximum(jnp.max(scv), jnp.max(tcv))
    c1 = jnp.min(jnp.where(scv == mx, sci, _I32MAX))
    c2 = jnp.min(jnp.where(tcv == mx, tci, _I32MAX))
    out_ref[...] = jnp.minimum(c1, c2).reshape(1, 1)


def _merge(scv, sci, tcv, tci):
    return pl.pallas_call(
        _merge_body,
        out_shape=jax.ShapeDtypeStruct((1, 1), jnp.int32),
    )(scv, sci, tcv, tci)


@jax.jit
def kernel(x):
    scv, sci = _sc_scan(x)
    tcv, tci = _tc_scan(x)
    out = _merge(scv, sci, tcv, tci)
    return out[0, 0].astype(jnp.int64)

# --- scband reference (transcript-rebuilt; emitter-appended) ---
"""Pipeline reference for scband-argmax-13280038880185 (READ-ONLY COPY).

The authoritative reference and input builder live on the scoring server;
editing this copy changes nothing except your own understanding.
"""

import jax, jax.numpy as jnp
import numpy as np


def setup_inputs(seed: int = 0) -> dict:
    key = jax.random.key(seed)
    x = jax.random.normal(key, (128, 32768), dtype=jnp.float32)
    return {"x": x}


def reference(x):
    # torch.argmax(x) with no dim: argmax over the flattened tensor,
    # returning a scalar int64 index.
    return jnp.argmax(x.reshape(-1)).astype(jnp.int64)

if __name__ == "__main__":
    import jax
    _d = setup_inputs()
    print(jax.jit(kernel)(*tuple(_d.values())))

</pallas_src>

<mosaic_0001>
#map = affine_map<(d0, d1) -> (0, 0)>
module attributes {stable_mosaic.version = 14 : i64} {
  func.func @_sc_scan(%arg0: i32, %arg1: i32, %arg2: memref<128x32768xf32, #tpu.memory_space<hbm>>, %arg3: memref<32x16xf32, #tpu.memory_space<hbm>>, %arg4: memref<32x16xi32, #tpu.memory_space<hbm>>, %arg5: memref<16384xf32, #tpu.memory_space<vmem>>, %arg6: memref<16384xf32, #tpu.memory_space<vmem>>, %arg7: memref<16384xf32, #tpu.memory_space<vmem>>, %arg8: memref<16xf32, #tpu.memory_space<vmem>>, %arg9: memref<16xi32, #tpu.memory_space<vmem>>, %arg10: memref<!tpu.dma_semaphore, #tpu.memory_space<semaphore_mem>>, %arg11: memref<!tpu.dma_semaphore, #tpu.memory_space<semaphore_mem>>, %arg12: memref<!tpu.dma_semaphore, #tpu.memory_space<semaphore_mem>>) attributes {dimension_semantics = [#tpu.dimension_semantics<core_parallel>, #tpu.dimension_semantics<subcore_parallel>], iteration_bounds = array<i64: 2, 16>, scalar_prefetch = 0 : i64, scratch_operands = 8 : i64, tpu.core_type = #tpu.core_type<sc_vector_subcore>, window_params = [{transform_indices = #map}, {transform_indices = #map}, {transform_indices = #map}]} {
    %mul3A = arith.constant 16 : i32
    %mul3A_0 = arith.muli %arg0, %mul3A : i32
    %add3A = arith.addi %mul3A_0, %arg1 : i32
    %mul3A_1 = arith.constant 49152 : i32
    %mul3A_2 = arith.muli %add3A, %mul3A_1 : i32
    %mul3A_3 = arith.constant 3 : i32
    %mul3A_4 = arith.muli %add3A, %mul3A_3 : i32
    %add3A_5 = arith.constant 0 : i32
    %add3A_6 = arith.addi %mul3A_4, %add3A_5 : i32
    %jit3A = arith.constant 2 : i32
    %div3A = arith.divsi %add3A_6, %jit3A : i32
    %sign3A = arith.constant 0 : i32
    %sign3A_7 = arith.cmpi sgt, %add3A_6, %sign3A : i32
    %sign3A_8 = arith.extui %sign3A_7 : i1 to i32
    %sign3A_9 = arith.constant 0 : i32
    %sign3A_10 = arith.cmpi slt, %add3A_6, %sign3A_9 : i32
    %sign3A_11 = arith.extui %sign3A_10 : i1 to i32
    %sign3A_12 = arith.subi %sign3A_8, %sign3A_11 : i32
    %sign3A_13 = arith.constant 0 : i32
    %sign3A_14 = arith.cmpi sgt, %jit3A, %sign3A_13 : i32
    %sign3A_15 = arith.extui %sign3A_14 : i1 to i32
    %sign3A_16 = arith.constant 0 : i32
    %sign3A_17 = arith.cmpi slt, %jit3A, %sign3A_16 : i32
    %sign3A_18 = arith.extui %sign3A_17 : i1 to i32
    %sign3A_19 = arith.subi %sign3A_15, %sign3A_18 : i32
    %ne3A = arith.cmpi ne, %sign3A_12, %sign3A_19 : i32
    %rem3A = arith.remsi %add3A_6, %jit3A : i32
    %ne3A_20 = arith.constant 0 : i32
    %ne3A_21 = arith.cmpi ne, %rem3A, %ne3A_20 : i32
    %and3A = arith.andi %ne3A, %ne3A_21 : i1
    %sub3A = arith.constant 1 : i32
    %sub3A_22 = arith.subi %div3A, %sub3A : i32
    %select_n3A = arith.select %and3A, %sub3A_22, %div3A : i32
    %jit3A_23 = arith.constant 2 : i32
    %eq3A = arith.constant 0 : i32
    %eq3A_24 = arith.cmpi eq, %jit3A_23, %eq3A : i32
    %jit3A_25 = arith.constant 1 : i32
    %select_n3A_26 = arith.select %eq3A_24, %jit3A_25, %jit3A_23 : i32
    %rem3A_27 = arith.remsi %add3A_6, %select_n3A_26 : i32
    %ne3A_28 = arith.constant 0 : i32
    %ne3A_29 = arith.cmpi ne, %rem3A_27, %ne3A_28 : i32
    %lt3A = arith.constant 0 : i32
    %lt3A_30 = arith.cmpi slt, %rem3A_27, %lt3A : i32
    %lt3A_31 = arith.constant 0 : i32
    %lt3A_32 = arith.cmpi slt, %select_n3A_26, %lt3A_31 : i32
    %ne3A_33 = arith.xori %lt3A_30, %lt3A_32 : i1
    %and3A_34 = arith.andi %ne3A_33, %ne3A_29 : i1
    %add3A_35 = arith.addi %rem3A_27, %select_n3A_26 : i32
    %select_n3A_36 = arith.select %and3A_34, %add3A_35, %rem3A_27 : i32
    %mul3A_37 = arith.constant 16384 : i32
    %mul3A_38 = arith.muli %select_n3A_36, %mul3A_37 : i32
    %multiple_of3A = tpu.assume_multiple %mul3A_38, 16384 : i32
    %dma_start3A = tpu.memref_slice %arg2[%select_n3A, %multiple_of3A] : memref<128x32768xf32, #tpu.memory_space<hbm>> -> memref<1x16384xf32, #tpu.memory_space<hbm>>
    %dma_start3A_39 = tpu.memref_squeeze %dma_start3A : memref<1x16384xf32, #tpu.memory_space<hbm>> -> memref<16384xf32, #tpu.memory_space<hbm>>
    %dma_start3A_40 = tpu.memref_slice %arg2[%select_n3A, %multiple_of3A] : memref<128x32768xf32, #tpu.memory_space<hbm>> -> memref<1x16384xf32, #tpu.memory_space<hbm>>
    %dma_start3A_41 = tpu.memref_squeeze %dma_start3A_40 : memref<1x16384xf32, #tpu.memory_space<hbm>> -> memref<16384xf32, #tpu.memory_space<hbm>>
    tpu.enqueue_dma source(%dma_start3A_41 : memref<16384xf32, #tpu.memory_space<hbm>>) target(%arg5 : memref<16384xf32, #tpu.memory_space<vmem>>) target_semaphore(%arg10 : memref<!tpu.dma_semaphore, #tpu.memory_space<semaphore_mem>>)
    %mul3A_42 = arith.constant 3 : i32
    %mul3A_43 = arith.muli %add3A, %mul3A_42 : i32
    %add3A_44 = arith.constant 1 : i32
    %add3A_45 = arith.addi %mul3A_43, %add3A_44 : i32
    %jit3A_46 = arith.constant 2 : i32
    %div3A_47 = arith.divsi %add3A_45, %jit3A_46 : i32
    %sign3A_48 = arith.constant 0 : i32
    %sign3A_49 = arith.cmpi sgt, %add3A_45, %sign3A_48 : i32
    %sign3A_50 = arith.extui %sign3A_49 : i1 to i32
    %sign3A_51 = arith.constant 0 : i32
    %sign3A_52 = arith.cmpi slt, %add3A_45, %sign3A_51 : i32
    %sign3A_53 = arith.extui %sign3A_52 : i1 to i32
    %sign3A_54 = arith.subi %sign3A_50, %sign3A_53 : i32
    %sign3A_55 = arith.constant 0 : i32
    %sign3A_56 = arith.cmpi sgt, %jit3A_46, %sign3A_55 : i32
    %sign3A_57 = arith.extui %sign3A_56 : i1 to i32
    %sign3A_58 = arith.constant 0 : i32
    %sign3A_59 = arith.cmpi slt, %jit3A_46, %sign3A_58 : i32
    %sign3A_60 = arith.extui %sign3A_59 : i1 to i32
    %sign3A_61 = arith.subi %sign3A_57, %sign3A_60 : i32
    %ne3A_62 = arith.cmpi ne, %sign3A_54, %sign3A_61 : i32
    %rem3A_63 = arith.remsi %add3A_45, %jit3A_46 : i32
    %ne3A_64 = arith.constant 0 : i32
    %ne3A_65 = arith.cmpi ne, %rem3A_63, %ne3A_64 : i32
    %and3A_66 = arith.andi %ne3A_62, %ne3A_65 : i1
    %sub3A_67 = arith.constant 1 : i32
    %sub3A_68 = arith.subi %div3A_47, %sub3A_67 : i32
    %select_n3A_69 = arith.select %and3A_66, %sub3A_68, %div3A_47 : i32
    %jit3A_70 = arith.constant 2 : i32
    %eq3A_71 = arith.constant 0 : i32
    %eq3A_72 = arith.cmpi eq, %jit3A_70, %eq3A_71 : i32
    %jit3A_73 = arith.constant 1 : i32
    %select_n3A_74 = arith.select %eq3A_72, %jit3A_73, %jit3A_70 : i32
    %rem3A_75 = arith.remsi %add3A_45, %select_n3A_74 : i32
    %ne3A_76 = arith.constant 0 : i32
    %ne3A_77 = arith.cmpi ne, %rem3A_75, %ne3A_76 : i32
    %lt3A_78 = arith.constant 0 : i32
    %lt3A_79 = arith.cmpi slt, %rem3A_75, %lt3A_78 : i32
    %lt3A_80 = arith.constant 0 : i32
    %lt3A_81 = arith.cmpi slt, %select_n3A_74, %lt3A_80 : i32
    %ne3A_82 = arith.xori %lt3A_79, %lt3A_81 : i1
    %and3A_83 = arith.andi %ne3A_82, %ne3A_77 : i1
    %add3A_84 = arith.addi %rem3A_75, %select_n3A_74 : i32
    %select_n3A_85 = arith.select %and3A_83, %add3A_84, %rem3A_75 : i32
    %mul3A_86 = arith.constant 16384 : i32
    %mul3A_87 = arith.muli %select_n3A_85, %mul3A_86 : i32
    %multiple_of3A_88 = tpu.assume_multiple %mul3A_87, 16384 : i32
    %dma_start3A_89 = tpu.memref_slice %arg2[%select_n3A_69, %multiple_of3A_88] : memref<128x32768xf32, #tpu.memory_space<hbm>> -> memref<1x16384xf32, #tpu.memory_space<hbm>>
    %dma_start3A_90 = tpu.memref_squeeze %dma_start3A_89 : memref<1x16384xf32, #tpu.memory_space<hbm>> -> memref<16384xf32, #tpu.memory_space<hbm>>
    %dma_start3A_91 = tpu.memref_slice %arg2[%select_n3A_69, %multiple_of3A_88] : memref<128x32768xf32, #tpu.memory_space<hbm>> -> memref<1x16384xf32, #tpu.memory_space<hbm>>
    %dma_start3A_92 = tpu.memref_squeeze %dma_start3A_91 : memref<1x16384xf32, #tpu.memory_space<hbm>> -> memref<16384xf32, #tpu.memory_space<hbm>>
    tpu.enqueue_dma source(%dma_start3A_92 : memref<16384xf32, #tpu.memory_space<hbm>>) target(%arg6 : memref<16384xf32, #tpu.memory_space<vmem>>) target_semaphore(%arg11 : memref<!tpu.dma_semaphore, #tpu.memory_space<semaphore_mem>>)
    %mul3A_93 = arith.constant 3 : i32
    %mul3A_94 = arith.muli %add3A, %mul3A_93 : i32
    %add3A_95 = arith.constant 2 : i32
    %add3A_96 = arith.addi %mul3A_94, %add3A_95 : i32
    %jit3A_97 = arith.constant 2 : i32
    %div3A_98 = arith.divsi %add3A_96, %jit3A_97 : i32
    %sign3A_99 = arith.constant 0 : i32
    %sign3A_100 = arith.cmpi sgt, %add3A_96, %sign3A_99 : i32
    %sign3A_101 = arith.extui %sign3A_100 : i1 to i32
    %sign3A_102 = arith.constant 0 : i32
    %sign3A_103 = arith.cmpi slt, %add3A_96, %sign3A_102 : i32
    %sign3A_104 = arith.extui %sign3A_103 : i1 to i32
    %sign3A_105 = arith.subi %sign3A_101, %sign3A_104 : i32
    %sign3A_106 = arith.constant 0 : i32
    %sign3A_107 = arith.cmpi sgt, %jit3A_97, %sign3A_106 : i32
    %sign3A_108 = arith.extui %sign3A_107 : i1 to i32
    %sign3A_109 = arith.constant 0 : i32
    %sign3A_110 = arith.cmpi slt, %jit3A_97, %sign3A_109 : i32
    %sign3A_111 = arith.extui %sign3A_110 : i1 to i32
    %sign3A_112 = arith.subi %sign3A_108, %sign3A_111 : i32
    %ne3A_113 = arith.cmpi ne, %sign3A_105, %sign3A_112 : i32
    %rem3A_114 = arith.remsi %add3A_96, %jit3A_97 : i32
    %ne3A_115 = arith.constant 0 : i32
    %ne3A_116 = arith.cmpi ne, %rem3A_114, %ne3A_115 : i32
    %and3A_117 = arith.andi %ne3A_113, %ne3A_116 : i1
    %sub3A_118 = arith.constant 1 : i32
    %sub3A_119 = arith.subi %div3A_98, %sub3A_118 : i32
    %select_n3A_120 = arith.select %and3A_117, %sub3A_119, %div3A_98 : i32
    %jit3A_121 = arith.constant 2 : i32
    %eq3A_122 = arith.constant 0 : i32
    %eq3A_123 = arith.cmpi eq, %jit3A_121, %eq3A_122 : i32
    %jit3A_124 = arith.constant 1 : i32
    %select_n3A_125 = arith.select %eq3A_123, %jit3A_124, %jit3A_121 : i32
    %rem3A_126 = arith.remsi %add3A_96, %select_n3A_125 : i32
    %ne3A_127 = arith.constant 0 : i32
    %ne3A_128 = arith.cmpi ne, %rem3A_126, %ne3A_127 : i32
    %lt3A_129 = arith.constant 0 : i32
    %lt3A_130 = arith.cmpi slt, %rem3A_126, %lt3A_129 : i32
    %lt3A_131 = arith.constant 0 : i32
    %lt3A_132 = arith.cmpi slt, %select_n3A_125, %lt3A_131 : i32
    %ne3A_133 = arith.xori %lt3A_130, %lt3A_132 : i1
    %and3A_134 = arith.andi %ne3A_133, %ne3A_128 : i1
    %add3A_135 = arith.addi %rem3A_126, %select_n3A_125 : i32
    %select_n3A_136 = arith.select %and3A_134, %add3A_135, %rem3A_126 : i32
    %mul3A_137 = arith.constant 16384 : i32
    %mul3A_138 = arith.muli %select_n3A_136, %mul3A_137 : i32
    %multiple_of3A_139 = tpu.assume_multiple %mul3A_138, 16384 : i32
    %dma_start3A_140 = tpu.memref_slice %arg2[%select_n3A_120, %multiple_of3A_139] : memref<128x32768xf32, #tpu.memory_space<hbm>> -> memref<1x16384xf32, #tpu.memory_space<hbm>>
    %dma_start3A_141 = tpu.memref_squeeze %dma_start3A_140 : memref<1x16384xf32, #tpu.memory_space<hbm>> -> memref<16384xf32, #tpu.memory_space<hbm>>
    %dma_start3A_142 = tpu.memref_slice %arg2[%select_n3A_120, %multiple_of3A_139] : memref<128x32768xf32, #tpu.memory_space<hbm>> -> memref<1x16384xf32, #tpu.memory_space<hbm>>
    %dma_start3A_143 = tpu.memref_squeeze %dma_start3A_142 : memref<1x16384xf32, #tpu.memory_space<hbm>> -> memref<16384xf32, #tpu.memory_space<hbm>>
    tpu.enqueue_dma source(%dma_start3A_143 : memref<16384xf32, #tpu.memory_space<hbm>>) target(%arg7 : memref<16384xf32, #tpu.memory_space<vmem>>) target_semaphore(%arg12 : memref<!tpu.dma_semaphore, #tpu.memory_space<semaphore_mem>>)
    %iota3A = tpu.iota {dimensions = array<i32: 0>} : vector<16xi32>
    %broadcast_in_dim3A = arith.constant 0xFF800000 : f32
    %broadcast_in_dim3A_144 = vector.broadcast %broadcast_in_dim3A : f32 to vector<16xf32>
    %broadcast_in_dim3A_145 = arith.constant 0 : i32
    %broadcast_in_dim3A_146 = vector.broadcast %broadcast_in_dim3A_145 : i32 to vector<16xi32>
    %dma_wait3A = tpu.memref_slice %arg2[%select_n3A, %multiple_of3A] : memref<128x32768xf32, #tpu.memory_space<hbm>> -> memref<1x16384xf32, #tpu.memory_space<hbm>>
    %dma_wait3A_147 = tpu.memref_squeeze %dma_wait3A : memref<1x16384xf32, #tpu.memory_space<hbm>> -> memref<16384xf32, #tpu.memory_space<hbm>>
    %dma_wait3A_148 = tpu.memref_slice %arg2[%select_n3A, %multiple_of3A] : memref<128x32768xf32, #tpu.memory_space<hbm>> -> memref<1x16384xf32, #tpu.memory_space<hbm>>
    %dma_wait3A_149 = tpu.memref_squeeze %dma_wait3A_148 : memref<1x16384xf32, #tpu.memory_space<hbm>> -> memref<16384xf32, #tpu.memory_space<hbm>>
    tpu.wait_dma2 semaphore(%arg10 : memref<!tpu.dma_semaphore, #tpu.memory_space<semaphore_mem>>) src(%dma_wait3A_149 : memref<16384xf32, #tpu.memory_space<hbm>>) dst(%arg5 : memref<16384xf32, #tpu.memory_space<vmem>>)
    %scan3A = arith.constant 0 : i32
    %scan3A_150 = arith.constant 128 : i32
    %scan3A_151 = arith.addi %scan3A, %scan3A_150 : i32
    %scan3A_152 = arith.constant 1 : i32
    %scan3A_153:2 = scf.for %scan3A_188 = %scan3A to %scan3A_151 step %scan3A_152 iter_args(%scan3A_189 = %broadcast_in_dim3A_144, %scan3A_190 = %broadcast_in_dim3A_146) -> (vector<16xf32>, vector<16xi32>)  : i32 {
      %mul3A_191 = arith.constant 8 : i32
      %mul3A_192 = arith.muli %scan3A_188, %mul3A_191 : i32
      %add3A_193 = arith.constant 0 : i32
      %add3A_194 = arith.addi %mul3A_192, %add3A_193 : i32
      %mul3A_195 = arith.constant 16 : i32
      %mul3A_196 = arith.muli %add3A_194, %mul3A_195 : i32
      %get3A = arith.index_cast %mul3A_196 : i32 to index
      %get3A_197 = tpu.vector_load %arg5[%get3A] {strides = array<i32>} : memref<16384xf32, #tpu.memory_space<vmem>>, vector<16xf32>,
      %get3A_198 = vector.shape_cast %get3A_197 : vector<16xf32> to vector<16xf32>
      %mul3A_199 = arith.constant 8 : i32
      %mul3A_200 = arith.muli %scan3A_188, %mul3A_199 : i32
      %add3A_201 = arith.constant 0 : i32
      %add3A_202 = arith.addi %add3A_201, %mul3A_200 : i32
      %add3A_203 = arith.constant 0 : i32
      %add3A_204 = arith.addi %add3A_202, %add3A_203 : i32
      %gt3A = arith.cmpf ogt, %get3A_198, %scan3A_189 : vector<16xf32>
      %max3A = arith.maximumf %scan3A_189, %get3A_198 : vector<16xf32>
      %broadcast_in_dim3A_205 = vector.broadcast %add3A_204 : i32 to vector<16xi32>
      %select_n3A_206 = arith.select %gt3A, %broadcast_in_dim3A_205, %scan3A_190 : vector<16xi1>, vector<16xi32>
      %mul3A_207 = arith.constant 8 : i32
      %mul3A_208 = arith.muli %scan3A_188, %mul3A_207 : i32
      %add3A_209 = arith.constant 1 : i32
      %add3A_210 = arith.addi %mul3A_208, %add3A_209 : i32
      %mul3A_211 = arith.constant 16 : i32
      %mul3A_212 = arith.muli %add3A_210, %mul3A_211 : i32
      %get3A_213 = arith.index_cast %mul3A_212 : i32 to index
      %get3A_214 = tpu.vector_load %arg5[%get3A_213] {strides = array<i32>} : memref<16384xf32, #tpu.memory_space<vmem>>, vector<16xf32>,
      %get3A_215 = vector.shape_cast %get3A_214 : vector<16xf32> to vector<16xf32>
      %mul3A_216 = arith.constant 8 : i32
      %mul3A_217 = arith.muli %scan3A_188, %mul3A_216 : i32
      %add3A_218 = arith.constant 0 : i32
      %add3A_219 = arith.addi %add3A_218, %mul3A_217 : i32
      %add3A_220 = arith.constant 1 : i32
      %add3A_221 = arith.addi %add3A_219, %add3A_220 : i32
      %gt3A_222 = arith.cmpf ogt, %get3A_215, %max3A : vector<16xf32>
      %max3A_223 = arith.maximumf %max3A, %get3A_215 : vector<16xf32>
      %broadcast_in_dim3A_224 = vector.broadcast %add3A_221 : i32 to vector<16xi32>
      %select_n3A_225 = arith.select %gt3A_222, %broadcast_in_dim3A_224, %select_n3A_206 : vector<16xi1>, vector<16xi32>
      %mul3A_226 = arith.constant 8 : i32
      %mul3A_227 = arith.muli %scan3A_188, %mul3A_226 : i32
      %add3A_228 = arith.constant 2 : i32
      %add3A_229 = arith.addi %mul3A_227, %add3A_228 : i32
      %mul3A_230 = arith.constant 16 : i32
      %mul3A_231 = arith.muli %add3A_229, %mul3A_230 : i32
      %get3A_232 = arith.index_cast %mul3A_231 : i32 to index
      %get3A_233 = tpu.vector_load %arg5[%get3A_232] {strides = array<i32>} : memref<16384xf32, #tpu.memory_space<vmem>>, vector<16xf32>,
      %get3A_234 = vector.shape_cast %get3A_233 : vector<16xf32> to vector<16xf32>
      %mul3A_235 = arith.constant 8 : i32
      %mul3A_236 = arith.muli %scan3A_188, %mul3A_235 : i32
      %add3A_237 = arith.constant 0 : i32
      %add3A_238 = arith.addi %add3A_237, %mul3A_236 : i32
      %add3A_239 = arith.constant 2 : i32
      %add3A_240 = arith.addi %add3A_238, %add3A_239 : i32
      %gt3A_241 = arith.cmpf ogt, %get3A_234, %max3A_223 : vector<16xf32>
      %max3A_242 = arith.maximumf %max3A_223, %get3A_234 : vector<16xf32>
      %broadcast_in_dim3A_243 = vector.broadcast %add3A_240 : i32 to vector<16xi32>
      %select_n3A_244 = arith.select %gt3A_241, %broadcast_in_dim3A_243, %select_n3A_225 : vector<16xi1>, vector<16xi32>
      %mul3A_245 = arith.constant 8 : i32
      %mul3A_246 = arith.muli %scan3A_188, %mul3A_245 : i32
      %add3A_247 = arith.constant 3 : i32
      %add3A_248 = arith.addi %mul3A_246, %add3A_247 : i32
      %mul3A_249 = arith.constant 16 : i32
      %mul3A_250 = arith.muli %add3A_248, %mul3A_249 : i32
      %get3A_251 = arith.index_cast %mul3A_250 : i32 to index
      %get3A_252 = tpu.vector_load %arg5[%get3A_251] {strides = array<i32>} : memref<16384xf32, #tpu.memory_space<vmem>>, vector<16xf32>,
      %get3A_253 = vector.shape_cast %get3A_252 : vector<16xf32> to vector<16xf32>
      %mul3A_254 = arith.constant 8 : i32
      %mul3A_255 = arith.muli %scan3A_188, %mul3A_254 : i32
      %add3A_256 = arith.constant 0 : i32
      %add3A_257 = arith.addi %add3A_256, %mul3A_255 : i32
      %add3A_258 = arith.constant 3 : i32
      %add3A_259 = arith.addi %add3A_257, %add3A_258 : i32
      %gt3A_260 = arith.cmpf ogt, %get3A_253, %max3A_242 : vector<16xf32>
      %max3A_261 = arith.maximumf %max3A_242, %get3A_253 : vector<16xf32>
      %broadcast_in_dim3A_262 = vector.broadcast %add3A_259 : i32 to vector<16xi32>
      %select_n3A_263 = arith.select %gt3A_260, %broadcast_in_dim3A_262, %select_n3A_244 : vector<16xi1>, vector<16xi32>
      %mul3A_264 = arith.constant 8 : i32
      %mul3A_265 = arith.muli %scan3A_188, %mul3A_264 : i32
      %add3A_266 = arith.constant 4 : i32
      %add3A_267 = arith.addi %mul3A_265, %add3A_266 : i32
      %mul3A_268 = arith.constant 16 : i32
      %mul3A_269 = arith.muli %add3A_267, %mul3A_268 : i32
      %get3A_270 = arith.index_cast %mul3A_269 : i32 to index
      %get3A_271 = tpu.vector_load %arg5[%get3A_270] {strides = array<i32>} : memref<16384xf32, #tpu.memory_space<vmem>>, vector<16xf32>,
      %get3A_272 = vector.shape_cast %get3A_271 : vector<16xf32> to vector<16xf32>
      %mul3A_273 = arith.constant 8 : i32
      %mul3A_274 = arith.muli %scan3A_188, %mul3A_273 : i32
      %add3A_275 = arith.constant 0 : i32
      %add3A_276 = arith.addi %add3A_275, %mul3A_274 : i32
      %add3A_277 = arith.constant 4 : i32
      %add3A_278 = arith.addi %add3A_276, %add3A_277 : i32
      %gt3A_279 = arith.cmpf ogt, %get3A_272, %max3A_261 : vector<16xf32>
      %max3A_280 = arith.maximumf %max3A_261, %get3A_272 : vector<16xf32>
      %broadcast_in_dim3A_281 = vector.broadcast %add3A_278 : i32 to vector<16xi32>
      %select_n3A_282 = arith.select %gt3A_279, %broadcast_in_dim3A_281, %select_n3A_263 : vector<16xi1>, vector<16xi32>
      %mul3A_283 = arith.constant 8 : i32
      %mul3A_284 = arith.muli %scan3A_188, %mul3A_283 : i32
      %add3A_285 = arith.constant 5 : i32
      %add3A_286 = arith.addi %mul3A_284, %add3A_285 : i32
      %mul3A_287 = arith.constant 16 : i32
      %mul3A_288 = arith.muli %add3A_286, %mul3A_287 : i32
      %get3A_289 = arith.index_cast %mul3A_288 : i32 to index
      %get3A_290 = tpu.vector_load %arg5[%get3A_289] {strides = array<i32>} : memref<16384xf32, #tpu.memory_space<vmem>>, vector<16xf32>,
      %get3A_291 = vector.shape_cast %get3A_290 : vector<16xf32> to vector<16xf32>
      %mul3A_292 = arith.constant 8 : i32
      %mul3A_293 = arith.muli %scan3A_188, %mul3A_292 : i32
      %add3A_294 = arith.constant 0 : i32
      %add3A_295 = arith.addi %add3A_294, %mul3A_293 : i32
      %add3A_296 = arith.constant 5 : i32
      %add3A_297 = arith.addi %add3A_295, %add3A_296 : i32
      %gt3A_298 = arith.cmpf ogt, %get3A_291, %max3A_280 : vector<16xf32>
      %max3A_299 = arith.maximumf %max3A_280, %get3A_291 : vector<16xf32>
      %broadcast_in_dim3A_300 = vector.broadcast %add3A_297 : i32 to vector<16xi32>
      %select_n3A_301 = arith.select %gt3A_298, %broadcast_in_dim3A_300, %select_n3A_282 : vector<16xi1>, vector<16xi32>
      %mul3A_302 = arith.constant 8 : i32
      %mul3A_303 = arith.muli %scan3A_188, %mul3A_302 : i32
      %add3A_304 = arith.constant 6 : i32
      %add3A_305 = arith.addi %mul3A_303, %add3A_304 : i32
      %mul3A_306 = arith.constant 16 : i32
      %mul3A_307 = arith.muli %add3A_305, %mul3A_306 : i32
      %get3A_308 = arith.index_cast %mul3A_307 : i32 to index
      %get3A_309 = tpu.vector_load %arg5[%get3A_308] {strides = array<i32>} : memref<16384xf32, #tpu.memory_space<vmem>>, vector<16xf32>,
      %get3A_310 = vector.shape_cast %get3A_309 : vector<16xf32> to vector<16xf32>
      %mul3A_311 = arith.constant 8 : i32
      %mul3A_312 = arith.muli %scan3A_188, %mul3A_311 : i32
      %add3A_313 = arith.constant 0 : i32
      %add3A_314 = arith.addi %add3A_313, %mul3A_312 : i32
      %add3A_315 = arith.constant 6 : i32
      %add3A_316 = arith.addi %add3A_314, %add3A_315 : i32
      %gt3A_317 = arith.cmpf ogt, %get3A_310, %max3A_299 : vector<16xf32>
      %max3A_318 = arith.maximumf %max3A_299, %get3A_310 : vector<16xf32>
      %broadcast_in_dim3A_319 = vector.broadcast %add3A_316 : i32 to vector<16xi32>
      %select_n3A_320 = arith.select %gt3A_317, %broadcast_in_dim3A_319, %select_n3A_301 : vector<16xi1>, vector<16xi32>
      %mul3A_321 = arith.constant 8 : i32
      %mul3A_322 = arith.muli %scan3A_188, %mul3A_321 : i32
      %add3A_323 = arith.constant 7 : i32
      %add3A_324 = arith.addi %mul3A_322, %add3A_323 : i32
      %mul3A_325 = arith.constant 16 : i32
      %mul3A_326 = arith.muli %add3A_324, %mul3A_325 : i32
      %get3A_327 = arith.index_cast %mul3A_326 : i32 to index
      %get3A_328 = tpu.vector_load %arg5[%get3A_327] {strides = array<i32>} : memref<16384xf32, #tpu.memory_space<vmem>>, vector<16xf32>,
      %get3A_329 = vector.shape_cast %get3A_328 : vector<16xf32> to vector<16xf32>
      %mul3A_330 = arith.constant 8 : i32
      %mul3A_331 = arith.muli %scan3A_188, %mul3A_330 : i32
      %add3A_332 = arith.constant 0 : i32
      %add3A_333 = arith.addi %add3A_332, %mul3A_331 : i32
      %add3A_334 = arith.constant 7 : i32
      %add3A_335 = arith.addi %add3A_333, %add3A_334 : i32
      %gt3A_336 = arith.cmpf ogt, %get3A_329, %max3A_318 : vector<16xf32>
      %max3A_337 = arith.maximumf %max3A_318, %get3A_329 : vector<16xf32>
      %broadcast_in_dim3A_338 = vector.broadcast %add3A_335 : i32 to vector<16xi32>
      %select_n3A_339 = arith.select %gt3A_336, %broadcast_in_dim3A_338, %select_n3A_320 : vector<16xi1>, vector<16xi32>
      scf.yield %max3A_337, %select_n3A_339 : vector<16xf32>, vector<16xi32>
    }
    %scan3A_154 = arith.constant 128 : i32
    %dma_wait3A_155 = tpu.memref_slice %arg2[%select_n3A_69, %multiple_of3A_88] : memref<128x32768xf32, #tpu.memory_space<hbm>> -> memref<1x16384xf32, #tpu.memory_space<hbm>>
    %dma_wait3A_156 = tpu.memref_squeeze %dma_wait3A_155 : memref<1x16384xf32, #tpu.memory_space<hbm>> -> memref<16384xf32, #tpu.memory_space<hbm>>
    %dma_wait3A_157 = tpu.memref_slice %arg2[%select_n3A_69, %multiple_of3A_88] : memref<128x32768xf32, #tpu.memory_space<hbm>> -> memref<1x16384xf32, #tpu.memory_space<hbm>>
    %dma_wait3A_158 = tpu.memref_squeeze %dma_wait3A_157 : memref<1x16384xf32, #tpu.memory_space<hbm>> -> memref<16384xf32, #tpu.memory_space<hbm>>
    tpu.wait_dma2 semaphore(%arg11 : memref<!tpu.dma_semaphore, #tpu.memory_space<semaphore_mem>>) src(%dma_wait3A_158 : memref<16384xf32, #tpu.memory_space<hbm>>) dst(%arg6 : memref<16384xf32, #tpu.memory_space<vmem>>)
    %scan3A_159 = arith.constant 0 : i32
    %scan3A_160 = arith.constant 128 : i32
    %scan3A_161 = arith.addi %scan3A_159, %scan3A_160 : i32
    %scan3A_162 = arith.constant 1 : i32
    %scan3A_163:2 = scf.for %scan3A_188 = %scan3A_159 to %scan3A_161 step %scan3A_162 iter_args(%scan3A_189 = %scan3A_153#0, %scan3A_190 = %scan3A_153#1) -> (vector<16xf32>, vector<16xi32>)  : i32 {
      %mul3A_191 = arith.constant 8 : i32
      %mul3A_192 = arith.muli %scan3A_188, %mul3A_191 : i32
      %add3A_193 = arith.constant 0 : i32
      %add3A_194 = arith.addi %mul3A_192, %add3A_193 : i32
      %mul3A_195 = arith.constant 16 : i32
      %mul3A_196 = arith.muli %add3A_194, %mul3A_195 : i32
      %get3A = arith.index_cast %mul3A_196 : i32 to index
      %get3A_197 = tpu.vector_load %arg6[%get3A] {strides = array<i32>} : memref<16384xf32, #tpu.memory_space<vmem>>, vector<16xf32>,
      %get3A_198 = vector.shape_cast %get3A_197 : vector<16xf32> to vector<16xf32>
      %mul3A_199 = arith.constant 8 : i32
      %mul3A_200 = arith.muli %scan3A_188, %mul3A_199 : i32
      %add3A_201 = arith.constant 1024 : i32
      %add3A_202 = arith.addi %add3A_201, %mul3A_200 : i32
      %add3A_203 = arith.constant 0 : i32
      %add3A_204 = arith.addi %add3A_202, %add3A_203 : i32
      %gt3A = arith.cmpf ogt, %get3A_198, %scan3A_189 : vector<16xf32>
      %max3A = arith.maximumf %scan3A_189, %get3A_198 : vector<16xf32>
      %broadcast_in_dim3A_205 = vector.broadcast %add3A_204 : i32 to vector<16xi32>
      %select_n3A_206 = arith.select %gt3A, %broadcast_in_dim3A_205, %scan3A_190 : vector<16xi1>, vector<16xi32>
      %mul3A_207 = arith.constant 8 : i32
      %mul3A_208 = arith.muli %scan3A_188, %mul3A_207 : i32
      %add3A_209 = arith.constant 1 : i32
      %add3A_210 = arith.addi %mul3A_208, %add3A_209 : i32
      %mul3A_211 = arith.constant 16 : i32
      %mul3A_212 = arith.muli %add3A_210, %mul3A_211 : i32
      %get3A_213 = arith.index_cast %mul3A_212 : i32 to index
      %get3A_214 = tpu.vector_load %arg6[%get3A_213] {strides = array<i32>} : memref<16384xf32, #tpu.memory_space<vmem>>, vector<16xf32>,
      %get3A_215 = vector.shape_cast %get3A_214 : vector<16xf32> to vector<16xf32>
      %mul3A_216 = arith.constant 8 : i32
      %mul3A_217 = arith.muli %scan3A_188, %mul3A_216 : i32
      %add3A_218 = arith.constant 1024 : i32
      %add3A_219 = arith.addi %add3A_218, %mul3A_217 : i32
      %add3A_220 = arith.constant 1 : i32
      %add3A_221 = arith.addi %add3A_219, %add3A_220 : i32
      %gt3A_222 = arith.cmpf ogt, %get3A_215, %max3A : vector<16xf32>
      %max3A_223 = arith.maximumf %max3A, %get3A_215 : vector<16xf32>
      %broadcast_in_dim3A_224 = vector.broadcast %add3A_221 : i32 to vector<16xi32>
      %select_n3A_225 = arith.select %gt3A_222, %broadcast_in_dim3A_224, %select_n3A_206 : vector<16xi1>, vector<16xi32>
      %mul3A_226 = arith.constant 8 : i32
      %mul3A_227 = arith.muli %scan3A_188, %mul3A_226 : i32
      %add3A_228 = arith.constant 2 : i32
      %add3A_229 = arith.addi %mul3A_227, %add3A_228 : i32
      %mul3A_230 = arith.constant 16 : i32
      %mul3A_231 = arith.muli %add3A_229, %mul3A_230 : i32
      %get3A_232 = arith.index_cast %mul3A_231 : i32 to index
      %get3A_233 = tpu.vector_load %arg6[%get3A_232] {strides = array<i32>} : memref<16384xf32, #tpu.memory_space<vmem>>, vector<16xf32>,
      %get3A_234 = vector.shape_cast %get3A_233 : vector<16xf32> to vector<16xf32>
      %mul3A_235 = arith.constant 8 : i32
      %mul3A_236 = arith.muli %scan3A_188, %mul3A_235 : i32
      %add3A_237 = arith.constant 1024 : i32
      %add3A_238 = arith.addi %add3A_237, %mul3A_236 : i32
      %add3A_239 = arith.constant 2 : i32
      %add3A_240 = arith.addi %add3A_238, %add3A_239 : i32
      %gt3A_241 = arith.cmpf ogt, %get3A_234, %max3A_223 : vector<16xf32>
      %max3A_242 = arith.maximumf %max3A_223, %get3A_234 : vector<16xf32>
      %broadcast_in_dim3A_243 = vector.broadcast %add3A_240 : i32 to vector<16xi32>
      %select_n3A_244 = arith.select %gt3A_241, %broadcast_in_dim3A_243, %select_n3A_225 : vector<16xi1>, vector<16xi32>
      %mul3A_245 = arith.constant 8 : i32
      %mul3A_246 = arith.muli %scan3A_188, %mul3A_245 : i32
      %add3A_247 = arith.constant 3 : i32
      %add3A_248 = arith.addi %mul3A_246, %add3A_247 : i32
      %mul3A_249 = arith.constant 16 : i32
      %mul3A_250 = arith.muli %add3A_248, %mul3A_249 : i32
      %get3A_251 = arith.index_cast %mul3A_250 : i32 to index
      %get3A_252 = tpu.vector_load %arg6[%get3A_251] {strides = array<i32>} : memref<16384xf32, #tpu.memory_space<vmem>>, vector<16xf32>,
      %get3A_253 = vector.shape_cast %get3A_252 : vector<16xf32> to vector<16xf32>
      %mul3A_254 = arith.constant 8 : i32
      %mul3A_255 = arith.muli %scan3A_188, %mul3A_254 : i32
      %add3A_256 = arith.constant 1024 : i32
      %add3A_257 = arith.addi %add3A_256, %mul3A_255 : i32
      %add3A_258 = arith.constant 3 : i32
      %add3A_259 = arith.addi %add3A_257, %add3A_258 : i32
      %gt3A_260 = arith.cmpf ogt, %get3A_253, %max3A_242 : vector<16xf32>
      %max3A_261 = arith.maximumf %max3A_242, %get3A_253 : vector<16xf32>
      %broadcast_in_dim3A_262 = vector.broadcast %add3A_259 : i32 to vector<16xi32>
      %select_n3A_263 = arith.select %gt3A_260, %broadcast_in_dim3A_262, %select_n3A_244 : vector<16xi1>, vector<16xi32>
      %mul3A_264 = arith.constant 8 : i32
      %mul3A_265 = arith.muli %scan3A_188, %mul3A_264 : i32
      %add3A_266 = arith.constant 4 : i32
      %add3A_267 = arith.addi %mul3A_265, %add3A_266 : i32
      %mul3A_268 = arith.constant 16 : i32
      %mul3A_269 = arith.muli %add3A_267, %mul3A_268 : i32
      %get3A_270 = arith.index_cast %mul3A_269 : i32 to index
      %get3A_271 = tpu.vector_load %arg6[%get3A_270] {strides = array<i32>} : memref<16384xf32, #tpu.memory_space<vmem>>, vector<16xf32>,
      %get3A_272 = vector.shape_cast %get3A_271 : vector<16xf32> to vector<16xf32>
      %mul3A_273 = arith.constant 8 : i32
      %mul3A_274 = arith.muli %scan3A_188, %mul3A_273 : i32
      %add3A_275 = arith.constant 1024 : i32
      %add3A_276 = arith.addi %add3A_275, %mul3A_274 : i32
      %add3A_277 = arith.constant 4 : i32
      %add3A_278 = arith.addi %add3A_276, %add3A_277 : i32
      %gt3A_279 = arith.cmpf ogt, %get3A_272, %max3A_261 : vector<16xf32>
      %max3A_280 = arith.maximumf %max3A_261, %get3A_272 : vector<16xf32>
      %broadcast_in_dim3A_281 = vector.broadcast %add3A_278 : i32 to vector<16xi32>
      %select_n3A_282 = arith.select %gt3A_279, %broadcast_in_dim3A_281, %select_n3A_263 : vector<16xi1>, vector<16xi32>
      %mul3A_283 = arith.constant 8 : i32
      %mul3A_284 = arith.muli %scan3A_188, %mul3A_283 : i32
      %add3A_285 = arith.constant 5 : i32
      %add3A_286 = arith.addi %mul3A_284, %add3A_285 : i32
      %mul3A_287 = arith.constant 16 : i32
      %mul3A_288 = arith.muli %add3A_286, %mul3A_287 : i32
      %get3A_289 = arith.index_cast %mul3A_288 : i32 to index
      %get3A_290 = tpu.vector_load %arg6[%get3A_289] {strides = array<i32>} : memref<16384xf32, #tpu.memory_space<vmem>>, vector<16xf32>,
      %get3A_291 = vector.shape_cast %get3A_290 : vector<16xf32> to vector<16xf32>
      %mul3A_292 = arith.constant 8 : i32
      %mul3A_293 = arith.muli %scan3A_188, %mul3A_292 : i32
      %add3A_294 = arith.constant 1024 : i32
      %add3A_295 = arith.addi %add3A_294, %mul3A_293 : i32
      %add3A_296 = arith.constant 5 : i32
      %add3A_297 = arith.addi %add3A_295, %add3A_296 : i32
      %gt3A_298 = arith.cmpf ogt, %get3A_291, %max3A_280 : vector<16xf32>
      %max3A_299 = arith.maximumf %max3A_280, %get3A_291 : vector<16xf32>
      %broadcast_in_dim3A_300 = vector.broadcast %add3A_297 : i32 to vector<16xi32>
      %select_n3A_301 = arith.select %gt3A_298, %broadcast_in_dim3A_300, %select_n3A_282 : vector<16xi1>, vector<16xi32>
      %mul3A_302 = arith.constant 8 : i32
      %mul3A_303 = arith.muli %scan3A_188, %mul3A_302 : i32
      %add3A_304 = arith.constant 6 : i32
      %add3A_305 = arith.addi %mul3A_303, %add3A_304 : i32
      %mul3A_306 = arith.constant 16 : i32
      %mul3A_307 = arith.muli %add3A_305, %mul3A_306 : i32
      %get3A_308 = arith.index_cast %mul3A_307 : i32 to index
      %get3A_309 = tpu.vector_load %arg6[%get3A_308] {strides = array<i32>} : memref<16384xf32, #tpu.memory_space<vmem>>, vector<16xf32>,
      %get3A_310 = vector.shape_cast %get3A_309 : vector<16xf32> to vector<16xf32>
      %mul3A_311 = arith.constant 8 : i32
      %mul3A_312 = arith.muli %scan3A_188, %mul3A_311 : i32
      %add3A_313 = arith.constant 1024 : i32
      %add3A_314 = arith.addi %add3A_313, %mul3A_312 : i32
      %add3A_315 = arith.constant 6 : i32
      %add3A_316 = arith.addi %add3A_314, %add3A_315 : i32
      %gt3A_317 = arith.cmpf ogt, %get3A_310, %max3A_299 : vector<16xf32>
      %max3A_318 = arith.maximumf %max3A_299, %get3A_310 : vector<16xf32>
      %broadcast_in_dim3A_319 = vector.broadcast %add3A_316 : i32 to vector<16xi32>
      %select_n3A_320 = arith.select %gt3A_317, %broadcast_in_dim3A_319, %select_n3A_301 : vector<16xi1>, vector<16xi32>
      %mul3A_321 = arith.constant 8 : i32
      %mul3A_322 = arith.muli %scan3A_188, %mul3A_321 : i32
      %add3A_323 = arith.constant 7 : i32
      %add3A_324 = arith.addi %mul3A_322, %add3A_323 : i32
      %mul3A_325 = arith.constant 16 : i32
      %mul3A_326 = arith.muli %add3A_324, %mul3A_325 : i32
      %get3A_327 = arith.index_cast %mul3A_326 : i32 to index
      %get3A_328 = tpu.vector_load %arg6[%get3A_327] {strides = array<i32>} : memref<16384xf32, #tpu.memory_space<vmem>>, vector<16xf32>,
      %get3A_329 = vector.shape_cast %get3A_328 : vector<16xf32> to vector<16xf32>
      %mul3A_330 = arith.constant 8 : i32
      %mul3A_331 = arith.muli %scan3A_188, %mul3A_330 : i32
      %add3A_332 = arith.constant 1024 : i32
      %add3A_333 = arith.addi %add3A_332, %mul3A_331 : i32
      %add3A_334 = arith.constant 7 : i32
      %add3A_335 = arith.addi %add3A_333, %add3A_334 : i32
      %gt3A_336 = arith.cmpf ogt, %get3A_329, %max3A_318 : vector<16xf32>
      %max3A_337 = arith.maximumf %max3A_318, %get3A_329 : vector<16xf32>
      %broadcast_in_dim3A_338 = vector.broadcast %add3A_335 : i32 to vector<16xi32>
      %select_n3A_339 = arith.select %gt3A_336, %broadcast_in_dim3A_338, %select_n3A_320 : vector<16xi1>, vector<16xi32>
      scf.yield %max3A_337, %select_n3A_339 : vector<16xf32>, vector<16xi32>
    }
    %scan3A_164 = arith.constant 128 : i32
    %dma_wait3A_165 = tpu.memref_slice %arg2[%select_n3A_120, %multiple_of3A_139] : memref<128x32768xf32, #tpu.memory_space<hbm>> -> memref<1x16384xf32, #tpu.memory_space<hbm>>
    %dma_wait3A_166 = tpu.memref_squeeze %dma_wait3A_165 : memref<1x16384xf32, #tpu.memory_space<hbm>> -> memref<16384xf32, #tpu.memory_space<hbm>>
    %dma_wait3A_167 = tpu.memref_slice %arg2[%select_n3A_120, %multiple_of3A_139] : memref<128x32768xf32, #tpu.memory_space<hbm>> -> memref<1x16384xf32, #tpu.memory_space<hbm>>
    %dma_wait3A_168 = tpu.memref_squeeze %dma_wait3A_167 : memref<1x16384xf32, #tpu.memory_space<hbm>> -> memref<16384xf32, #tpu.memory_space<hbm>>
    tpu.wait_dma2 semaphore(%arg12 : memref<!tpu.dma_semaphore, #tpu.memory_space<semaphore_mem>>) src(%dma_wait3A_168 : memref<16384xf32, #tpu.memory_space<hbm>>) dst(%arg7 : memref<16384xf32, #tpu.memory_space<vmem>>)
    %scan3A_169 = arith.constant 0 : i32
    %scan3A_170 = arith.constant 128 : i32
    %scan3A_171 = arith.addi %scan3A_169, %scan3A_170 : i32
    %scan3A_172 = arith.constant 1 : i32
    %scan3A_173:2 = scf.for %scan3A_188 = %scan3A_169 to %scan3A_171 step %scan3A_172 iter_args(%scan3A_189 = %scan3A_163#0, %scan3A_190 = %scan3A_163#1) -> (vector<16xf32>, vector<16xi32>)  : i32 {
      %mul3A_191 = arith.constant 8 : i32
      %mul3A_192 = arith.muli %scan3A_188, %mul3A_191 : i32
      %add3A_193 = arith.constant 0 : i32
      %add3A_194 = arith.addi %mul3A_192, %add3A_193 : i32
      %mul3A_195 = arith.constant 16 : i32
      %mul3A_196 = arith.muli %add3A_194, %mul3A_195 : i32
      %get3A = arith.index_cast %mul3A_196 : i32 to index
      %get3A_197 = tpu.vector_load %arg7[%get3A] {strides = array<i32>} : memref<16384xf32, #tpu.memory_space<vmem>>, vector<16xf32>,
      %get3A_198 = vector.shape_cast %get3A_197 : vector<16xf32> to vector<16xf32>
      %mul3A_199 = arith.constant 8 : i32
      %mul3A_200 = arith.muli %scan3A_188, %mul3A_199 : i32
      %add3A_201 = arith.constant 2048 : i32
      %add3A_202 = arith.addi %add3A_201, %mul3A_200 : i32
      %add3A_203 = arith.constant 0 : i32
      %add3A_204 = arith.addi %add3A_202, %add3A_203 : i32
      %gt3A = arith.cmpf ogt, %get3A_198, %scan3A_189 : vector<16xf32>
      %max3A = arith.maximumf %scan3A_189, %get3A_198 : vector<16xf32>
      %broadcast_in_dim3A_205 = vector.broadcast %add3A_204 : i32 to vector<16xi32>
      %select_n3A_206 = arith.select %gt3A, %broadcast_in_dim3A_205, %scan3A_190 : vector<16xi1>, vector<16xi32>
      %mul3A_207 = arith.constant 8 : i32
      %mul3A_208 = arith.muli %scan3A_188, %mul3A_207 : i32
      %add3A_209 = arith.constant 1 : i32
      %add3A_210 = arith.addi %mul3A_208, %add3A_209 : i32
      %mul3A_211 = arith.constant 16 : i32
      %mul3A_212 = arith.muli %add3A_210, %mul3A_211 : i32
      %get3A_213 = arith.index_cast %mul3A_212 : i32 to index
      %get3A_214 = tpu.vector_load %arg7[%get3A_213] {strides = array<i32>} : memref<16384xf32, #tpu.memory_space<vmem>>, vector<16xf32>,
      %get3A_215 = vector.shape_cast %get3A_214 : vector<16xf32> to vector<16xf32>
      %mul3A_216 = arith.constant 8 : i32
      %mul3A_217 = arith.muli %scan3A_188, %mul3A_216 : i32
      %add3A_218 = arith.constant 2048 : i32
      %add3A_219 = arith.addi %add3A_218, %mul3A_217 : i32
      %add3A_220 = arith.constant 1 : i32
      %add3A_221 = arith.addi %add3A_219, %add3A_220 : i32
      %gt3A_222 = arith.cmpf ogt, %get3A_215, %max3A : vector<16xf32>
      %max3A_223 = arith.maximumf %max3A, %get3A_215 : vector<16xf32>
      %broadcast_in_dim3A_224 = vector.broadcast %add3A_221 : i32 to vector<16xi32>
      %select_n3A_225 = arith.select %gt3A_222, %broadcast_in_dim3A_224, %select_n3A_206 : vector<16xi1>, vector<16xi32>
      %mul3A_226 = arith.constant 8 : i32
      %mul3A_227 = arith.muli %scan3A_188, %mul3A_226 : i32
      %add3A_228 = arith.constant 2 : i32
      %add3A_229 = arith.addi %mul3A_227, %add3A_228 : i32
      %mul3A_230 = arith.constant 16 : i32
      %mul3A_231 = arith.muli %add3A_229, %mul3A_230 : i32
      %get3A_232 = arith.index_cast %mul3A_231 : i32 to index
      %get3A_233 = tpu.vector_load %arg7[%get3A_232] {strides = array<i32>} : memref<16384xf32, #tpu.memory_space<vmem>>, vector<16xf32>,
      %get3A_234 = vector.shape_cast %get3A_233 : vector<16xf32> to vector<16xf32>
      %mul3A_235 = arith.constant 8 : i32
      %mul3A_236 = arith.muli %scan3A_188, %mul3A_235 : i32
      %add3A_237 = arith.constant 2048 : i32
      %add3A_238 = arith.addi %add3A_237, %mul3A_236 : i32
      %add3A_239 = arith.constant 2 : i32
      %add3A_240 = arith.addi %add3A_238, %add3A_239 : i32
      %gt3A_241 = arith.cmpf ogt, %get3A_234, %max3A_223 : vector<16xf32>
      %max3A_242 = arith.maximumf %max3A_223, %get3A_234 : vector<16xf32>
      %broadcast_in_dim3A_243 = vector.broadcast %add3A_240 : i32 to vector<16xi32>
      %select_n3A_244 = arith.select %gt3A_241, %broadcast_in_dim3A_243, %select_n3A_225 : vector<16xi1>, vector<16xi32>
      %mul3A_245 = arith.constant 8 : i32
      %mul3A_246 = arith.muli %scan3A_188, %mul3A_245 : i32
      %add3A_247 = arith.constant 3 : i32
      %add3A_248 = arith.addi %mul3A_246, %add3A_247 : i32
      %mul3A_249 = arith.constant 16 : i32
      %mul3A_250 = arith.muli %add3A_248, %mul3A_249 : i32
      %get3A_251 = arith.index_cast %mul3A_250 : i32 to index
      %get3A_252 = tpu.vector_load %arg7[%get3A_251] {strides = array<i32>} : memref<16384xf32, #tpu.memory_space<vmem>>, vector<16xf32>,
      %get3A_253 = vector.shape_cast %get3A_252 : vector<16xf32> to vector<16xf32>
      %mul3A_254 = arith.constant 8 : i32
      %mul3A_255 = arith.muli %scan3A_188, %mul3A_254 : i32
      %add3A_256 = arith.constant 2048 : i32
      %add3A_257 = arith.addi %add3A_256, %mul3A_255 : i32
      %add3A_258 = arith.constant 3 : i32
      %add3A_259 = arith.addi %add3A_257, %add3A_258 : i32
      %gt3A_260 = arith.cmpf ogt, %get3A_253, %max3A_242 : vector<16xf32>
      %max3A_261 = arith.maximumf %max3A_242, %get3A_253 : vector<16xf32>
      %broadcast_in_dim3A_262 = vector.broadcast %add3A_259 : i32 to vector<16xi32>
      %select_n3A_263 = arith.select %gt3A_260, %broadcast_in_dim3A_262, %select_n3A_244 : vector<16xi1>, vector<16xi32>
      %mul3A_264 = arith.constant 8 : i32
      %mul3A_265 = arith.muli %scan3A_188, %mul3A_264 : i32
      %add3A_266 = arith.constant 4 : i32
      %add3A_267 = arith.addi %mul3A_265, %add3A_266 : i32
      %mul3A_268 = arith.constant 16 : i32
      %mul3A_269 = arith.muli %add3A_267, %mul3A_268 : i32
      %get3A_270 = arith.index_cast %mul3A_269 : i32 to index
      %get3A_271 = tpu.vector_load %arg7[%get3A_270] {strides = array<i32>} : memref<16384xf32, #tpu.memory_space<vmem>>, vector<16xf32>,
      %get3A_272 = vector.shape_cast %get3A_271 : vector<16xf32> to vector<16xf32>
      %mul3A_273 = arith.constant 8 : i32
      %mul3A_274 = arith.muli %scan3A_188, %mul3A_273 : i32
      %add3A_275 = arith.constant 2048 : i32
      %add3A_276 = arith.addi %add3A_275, %mul3A_274 : i32
      %add3A_277 = arith.constant 4 : i32
      %add3A_278 = arith.addi %add3A_276, %add3A_277 : i32
      %gt3A_279 = arith.cmpf ogt, %get3A_272, %max3A_261 : vector<16xf32>
      %max3A_280 = arith.maximumf %max3A_261, %get3A_272 : vector<16xf32>
      %broadcast_in_dim3A_281 = vector.broadcast %add3A_278 : i32 to vector<16xi32>
      %select_n3A_282 = arith.select %gt3A_279, %broadcast_in_dim3A_281, %select_n3A_263 : vector<16xi1>, vector<16xi32>
      %mul3A_283 = arith.constant 8 : i32
      %mul3A_284 = arith.muli %scan3A_188, %mul3A_283 : i32
      %add3A_285 = arith.constant 5 : i32
      %add3A_286 = arith.addi %mul3A_284, %add3A_285 : i32
      %mul3A_287 = arith.constant 16 : i32
      %mul3A_288 = arith.muli %add3A_286, %mul3A_287 : i32
      %get3A_289 = arith.index_cast %mul3A_288 : i32 to index
      %get3A_290 = tpu.vector_load %arg7[%get3A_289] {strides = array<i32>} : memref<16384xf32, #tpu.memory_space<vmem>>, vector<16xf32>,
      %get3A_291 = vector.shape_cast %get3A_290 : vector<16xf32> to vector<16xf32>
      %mul3A_292 = arith.constant 8 : i32
      %mul3A_293 = arith.muli %scan3A_188, %mul3A_292 : i32
      %add3A_294 = arith.constant 2048 : i32
      %add3A_295 = arith.addi %add3A_294, %mul3A_293 : i32
      %add3A_296 = arith.constant 5 : i32
      %add3A_297 = arith.addi %add3A_295, %add3A_296 : i32
      %gt3A_298 = arith.cmpf ogt, %get3A_291, %max3A_280 : vector<16xf32>
      %max3A_299 = arith.maximumf %max3A_280, %get3A_291 : vector<16xf32>
      %broadcast_in_dim3A_300 = vector.broadcast %add3A_297 : i32 to vector<16xi32>
      %select_n3A_301 = arith.select %gt3A_298, %broadcast_in_dim3A_300, %select_n3A_282 : vector<16xi1>, vector<16xi32>
      %mul3A_302 = arith.constant 8 : i32
      %mul3A_303 = arith.muli %scan3A_188, %mul3A_302 : i32
      %add3A_304 = arith.constant 6 : i32
      %add3A_305 = arith.addi %mul3A_303, %add3A_304 : i32
      %mul3A_306 = arith.constant 16 : i32
      %mul3A_307 = arith.muli %add3A_305, %mul3A_306 : i32
      %get3A_308 = arith.index_cast %mul3A_307 : i32 to index
      %get3A_309 = tpu.vector_load %arg7[%get3A_308] {strides = array<i32>} : memref<16384xf32, #tpu.memory_space<vmem>>, vector<16xf32>,
      %get3A_310 = vector.shape_cast %get3A_309 : vector<16xf32> to vector<16xf32>
      %mul3A_311 = arith.constant 8 : i32
      %mul3A_312 = arith.muli %scan3A_188, %mul3A_311 : i32
      %add3A_313 = arith.constant 2048 : i32
      %add3A_314 = arith.addi %add3A_313, %mul3A_312 : i32
      %add3A_315 = arith.constant 6 : i32
      %add3A_316 = arith.addi %add3A_314, %add3A_315 : i32
      %gt3A_317 = arith.cmpf ogt, %get3A_310, %max3A_299 : vector<16xf32>
      %max3A_318 = arith.maximumf %max3A_299, %get3A_310 : vector<16xf32>
      %broadcast_in_dim3A_319 = vector.broadcast %add3A_316 : i32 to vector<16xi32>
      %select_n3A_320 = arith.select %gt3A_317, %broadcast_in_dim3A_319, %select_n3A_301 : vector<16xi1>, vector<16xi32>
      %mul3A_321 = arith.constant 8 : i32
      %mul3A_322 = arith.muli %scan3A_188, %mul3A_321 : i32
      %add3A_323 = arith.constant 7 : i32
      %add3A_324 = arith.addi %mul3A_322, %add3A_323 : i32
      %mul3A_325 = arith.constant 16 : i32
      %mul3A_326 = arith.muli %add3A_324, %mul3A_325 : i32
      %get3A_327 = arith.index_cast %mul3A_326 : i32 to index
      %get3A_328 = tpu.vector_load %arg7[%get3A_327] {strides = array<i32>} : memref<16384xf32, #tpu.memory_space<vmem>>, vector<16xf32>,
      %get3A_329 = vector.shape_cast %get3A_328 : vector<16xf32> to vector<16xf32>
      %mul3A_330 = arith.constant 8 : i32
      %mul3A_331 = arith.muli %scan3A_188, %mul3A_330 : i32
      %add3A_332 = arith.constant 2048 : i32
      %add3A_333 = arith.addi %add3A_332, %mul3A_331 : i32
      %add3A_334 = arith.constant 7 : i32
      %add3A_335 = arith.addi %add3A_333, %add3A_334 : i32
      %gt3A_336 = arith.cmpf ogt, %get3A_329, %max3A_318 : vector<16xf32>
      %max3A_337 = arith.maximumf %max3A_318, %get3A_329 : vector<16xf32>
      %broadcast_in_dim3A_338 = vector.broadcast %add3A_335 : i32 to vector<16xi32>
      %select_n3A_339 = arith.select %gt3A_336, %broadcast_in_dim3A_338, %select_n3A_320 : vector<16xi1>, vector<16xi32>
      scf.yield %max3A_337, %select_n3A_339 : vector<16xf32>, vector<16xi32>
    }
    %scan3A_174 = arith.constant 128 : i32
    %swap3A = arith.constant 0 : index
    %swap3A_175 = tpu.vector_load %arg8[%swap3A] {strides = array<i32>} : memref<16xf32, #tpu.memory_space<vmem>>, vector<16xf32>,
    %swap3A_176 = vector.shape_cast %swap3A_175 : vector<16xf32> to vector<16xf32>
    %swap3A_177 = vector.shape_cast %scan3A_173#0 : vector<16xf32> to vector<16xf32>
    tpu.vector_store %arg8[%swap3A], %swap3A_177 {strides = array<i32>} : memref<16xf32, #tpu.memory_space<vmem>>, vector<16xf32>,
    %mul3A_178 = arith.constant 16 : i32
    %mul3A_179 = vector.broadcast %mul3A_178 : i32 to vector<16xi32>
    %mul3A_180 = arith.muli %scan3A_173#1, %mul3A_179 : vector<16xi32>
    %add3A_181 = arith.addi %mul3A_180, %iota3A : vector<16xi32>
    %add3A_182 = vector.broadcast %mul3A_2 : i32 to vector<16xi32>
    %add3A_183 = arith.addi %add3A_181, %add3A_182 : vector<16xi32>
    %swap3A_184 = arith.constant 0 : index
    %swap3A_185 = tpu.vector_load %arg9[%swap3A_184] {strides = array<i32>} : memref<16xi32, #tpu.memory_space<vmem>>, vector<16xi32>,
    %swap3A_186 = vector.shape_cast %swap3A_185 : vector<16xi32> to vector<16xi32>
    %swap3A_187 = vector.shape_cast %add3A_183 : vector<16xi32> to vector<16xi32>
    tpu.vector_store %arg9[%swap3A_184], %swap3A_187 {strides = array<i32>} : memref<16xi32, #tpu.memory_space<vmem>>, vector<16xi32>,
    "tpu.region"() ({
      %run_scoped3A = tpu.sem_alloc : memref<!tpu.dma_semaphore, #tpu.memory_space<semaphore_mem>>
      %dma_start3A_188 = arith.constant 0 : i32
      %dma_start3A_189 = tpu.memref_slice %arg3[%add3A, %dma_start3A_188] : memref<32x16xf32, #tpu.memory_space<hbm>> -> memref<1x16xf32, #tpu.memory_space<hbm>>
      %dma_start3A_190 = tpu.memref_squeeze %dma_start3A_189 : memref<1x16xf32, #tpu.memory_space<hbm>> -> memref<16xf32, #tpu.memory_space<hbm>>
      %dma_start3A_191 = arith.constant 0 : i32
      %dma_start3A_192 = tpu.memref_slice %arg3[%add3A, %dma_start3A_191] : memref<32x16xf32, #tpu.memory_space<hbm>> -> memref<1x16xf32, #tpu.memory_space<hbm>>
      %dma_start3A_193 = tpu.memref_squeeze %dma_start3A_192 : memref<1x16xf32, #tpu.memory_space<hbm>> -> memref<16xf32, #tpu.memory_space<hbm>>
      tpu.enqueue_dma source(%arg8 : memref<16xf32, #tpu.memory_space<vmem>>) target(%dma_start3A_193 : memref<16xf32, #tpu.memory_space<hbm>>) target_semaphore(%run_scoped3A : memref<!tpu.dma_semaphore, #tpu.memory_space<semaphore_mem>>)
      %dma_wait3A_194 = arith.constant 0 : i32
      %dma_wait3A_195 = tpu.memref_slice %arg3[%add3A, %dma_wait3A_194] : memref<32x16xf32, #tpu.memory_space<hbm>> -> memref<1x16xf32, #tpu.memory_space<hbm>>
      %dma_wait3A_196 = tpu.memref_squeeze %dma_wait3A_195 : memref<1x16xf32, #tpu.memory_space<hbm>> -> memref<16xf32, #tpu.memory_space<hbm>>
      %dma_wait3A_197 = arith.constant 0 : i32
      %dma_wait3A_198 = tpu.memref_slice %arg3[%add3A, %dma_wait3A_197] : memref<32x16xf32, #tpu.memory_space<hbm>> -> memref<1x16xf32, #tpu.memory_space<hbm>>
      %dma_wait3A_199 = tpu.memref_squeeze %dma_wait3A_198 : memref<1x16xf32, #tpu.memory_space<hbm>> -> memref<16xf32, #tpu.memory_space<hbm>>
      tpu.wait_dma2 semaphore(%run_scoped3A : memref<!tpu.dma_semaphore, #tpu.memory_space<semaphore_mem>>) src(%arg8 : memref<16xf32, #tpu.memory_space<vmem>>) dst(%dma_wait3A_199 : memref<16xf32, #tpu.memory_space<hbm>>)
      tpu.yield
    }) : () -> ()
    "tpu.region"() ({
      %run_scoped3A = tpu.sem_alloc : memref<!tpu.dma_semaphore, #tpu.memory_space<semaphore_mem>>
      %dma_start3A_188 = arith.constant 0 : i32
      %dma_start3A_189 = tpu.memref_slice %arg4[%add3A, %dma_start3A_188] : memref<32x16xi32, #tpu.memory_space<hbm>> -> memref<1x16xi32, #tpu.memory_space<hbm>>
      %dma_start3A_190 = tpu.memref_squeeze %dma_start3A_189 : memref<1x16xi32, #tpu.memory_space<hbm>> -> memref<16xi32, #tpu.memory_space<hbm>>
      %dma_start3A_191 = arith.constant 0 : i32
      %dma_start3A_192 = tpu.memref_slice %arg4[%add3A, %dma_start3A_191] : memref<32x16xi32, #tpu.memory_space<hbm>> -> memref<1x16xi32, #tpu.memory_space<hbm>>
      %dma_start3A_193 = tpu.memref_squeeze %dma_start3A_192 : memref<1x16xi32, #tpu.memory_space<hbm>> -> memref<16xi32, #tpu.memory_space<hbm>>
      tpu.enqueue_dma source(%arg9 : memref<16xi32, #tpu.memory_space<vmem>>) target(%dma_start3A_193 : memref<16xi32, #tpu.memory_space<hbm>>) target_semaphore(%run_scoped3A : memref<!tpu.dma_semaphore, #tpu.memory_space<semaphore_mem>>)
      %dma_wait3A_194 = arith.constant 0 : i32
      %dma_wait3A_195 = tpu.memref_slice %arg4[%add3A, %dma_wait3A_194] : memref<32x16xi32, #tpu.memory_space<hbm>> -> memref<1x16xi32, #tpu.memory_space<hbm>>
      %dma_wait3A_196 = tpu.memref_squeeze %dma_wait3A_195 : memref<1x16xi32, #tpu.memory_space<hbm>> -> memref<16xi32, #tpu.memory_space<hbm>>
      %dma_wait3A_197 = arith.constant 0 : i32
      %dma_wait3A_198 = tpu.memref_slice %arg4[%add3A, %dma_wait3A_197] : memref<32x16xi32, #tpu.memory_space<hbm>> -> memref<1x16xi32, #tpu.memory_space<hbm>>
      %dma_wait3A_199 = tpu.memref_squeeze %dma_wait3A_198 : memref<1x16xi32, #tpu.memory_space<hbm>> -> memref<16xi32, #tpu.memory_space<hbm>>
      tpu.wait_dma2 semaphore(%run_scoped3A : memref<!tpu.dma_semaphore, #tpu.memory_space<semaphore_mem>>) src(%arg9 : memref<16xi32, #tpu.memory_space<vmem>>) dst(%dma_wait3A_199 : memref<16xi32, #tpu.memory_space<hbm>>)
      tpu.yield
    }) : () -> ()
    return
  }
}

module attributes {stable_mosaic.version = 14 : i64} {
  func.func @_merge_body(%arg0: memref<32x16xf32, #tpu.memory_space<vmem>>, %arg1: memref<32x16xi32, #tpu.memory_space<vmem>>, %arg2: memref<16x128xf32, #tpu.memory_space<vmem>>, %arg3: memref<16x128xi32, #tpu.memory_space<vmem>>, %arg4: memref<1x1xi32, #tpu.memory_space<vmem>>) attributes {dimension_semantics = [], scalar_prefetch = 0 : i64, scratch_operands = 0 : i64, tpu.core_type = #tpu.core_type<tc>} {
    %get3A = arith.constant 0 : index
    %get3A_0 = arith.constant 0 : index
    %get3A_1 = vector.load %arg0[%get3A, %get3A_0] : memref<32x16xf32, #tpu.memory_space<vmem>>, vector<32x16xf32>
    %get3A_2 = arith.constant 0 : index
    %get3A_3 = arith.constant 0 : index
    %get3A_4 = vector.load %arg1[%get3A_2, %get3A_3] : memref<32x16xi32, #tpu.memory_space<vmem>>, vector<32x16xi32>
    %get3A_5 = arith.constant 0 : index
    %get3A_6 = arith.constant 0 : index
    %get3A_7 = vector.load %arg2[%get3A_5, %get3A_6] : memref<16x128xf32, #tpu.memory_space<vmem>>, vector<16x128xf32>
    %get3A_8 = arith.constant 0 : index
    %get3A_9 = arith.constant 0 : index
    %get3A_10 = vector.load %arg3[%get3A_8, %get3A_9] : memref<16x128xi32, #tpu.memory_space<vmem>>, vector<16x128xi32>
    %reduce_max3A = vector.shape_cast %get3A_1 : vector<32x16xf32> to vector<1x32x16xf32>
    %reduce_max3A_11 = arith.constant dense<0xFF800000> : vector<1xf32>
    %reduce_max3A_12 = vector.multi_reduction <maximumf>, %reduce_max3A, %reduce_max3A_11 [1, 2] : vector<1x32x16xf32> to vector<1xf32>
    %reduce_max3A_13 = vector.shape_cast %reduce_max3A_12 : vector<1xf32> to vector<1x1x1xf32>
    %reduce_max3A_14 = vector.extract %reduce_max3A_13[0, 0, 0] : f32 from vector<1x1x1xf32>
    %reduce_max3A_15 = vector.shape_cast %get3A_7 : vector<16x128xf32> to vector<1x16x128xf32>
    %reduce_max3A_16 = arith.constant dense<0xFF800000> : vector<1xf32>
    %reduce_max3A_17 = vector.multi_reduction <maximumf>, %reduce_max3A_15, %reduce_max3A_16 [1, 2] : vector<1x16x128xf32> to vector<1xf32>
    %reduce_max3A_18 = vector.shape_cast %reduce_max3A_17 : vector<1xf32> to vector<1x1x1xf32>
    %reduce_max3A_19 = vector.extract %reduce_max3A_18[0, 0, 0] : f32 from vector<1x1x1xf32>
    %max3A = arith.maximumf %reduce_max3A_14, %reduce_max3A_19 : f32
    %eq3A = vector.broadcast %max3A : f32 to vector<32x16xf32>
    %eq3A_20 = arith.cmpf oeq, %get3A_1, %eq3A : vector<32x16xf32>
    %jit3A = arith.constant 2147483647 : i32
    %broadcast_in_dim3A = vector.broadcast %jit3A : i32 to vector<32x16xi32>
    %select_n3A = arith.select %eq3A_20, %get3A_4, %broadcast_in_dim3A : vector<32x16xi1>, vector<32x16xi32>
    %reduce_min3A = vector.shape_cast %select_n3A : vector<32x16xi32> to vector<1x32x16xi32>
    %reduce_min3A_21 = arith.constant dense<2147483647> : vector<1xi32>
    %reduce_min3A_22 = vector.multi_reduction <minsi>, %reduce_min3A, %reduce_min3A_21 [1, 2] : vector<1x32x16xi32> to vector<1xi32>
    %reduce_min3A_23 = vector.shape_cast %reduce_min3A_22 : vector<1xi32> to vector<1x1x1xi32>
    %reduce_min3A_24 = vector.extract %reduce_min3A_23[0, 0, 0] : i32 from vector<1x1x1xi32>
    %eq3A_25 = vector.broadcast %max3A : f32 to vector<16x128xf32>
    %eq3A_26 = arith.cmpf oeq, %get3A_7, %eq3A_25 : vector<16x128xf32>
    %jit3A_27 = arith.constant 2147483647 : i32
    %broadcast_in_dim3A_28 = vector.broadcast %jit3A_27 : i32 to vector<16x128xi32>
    %select_n3A_29 = arith.select %eq3A_26, %get3A_10, %broadcast_in_dim3A_28 : vector<16x128xi1>, vector<16x128xi32>
    %reduce_min3A_30 = vector.shape_cast %select_n3A_29 : vector<16x128xi32> to vector<1x16x128xi32>
    %reduce_min3A_31 = arith.constant dense<2147483647> : vector<1xi32>
    %reduce_min3A_32 = vector.multi_reduction <minsi>, %reduce_min3A_30, %reduce_min3A_31 [1, 2] : vector<1x16x128xi32> to vector<1xi32>
    %reduce_min3A_33 = vector.shape_cast %reduce_min3A_32 : vector<1xi32> to vector<1x1x1xi32>
    %reduce_min3A_34 = vector.extract %reduce_min3A_33[0, 0, 0] : i32 from vector<1x1x1xi32>
    %min3A = arith.minsi %reduce_min3A_24, %reduce_min3A_34 : i32
    %reshape3A = vector.broadcast %min3A : i32 to vector<1x1xi32>
    %swap3A = arith.constant 0 : index
    %swap3A_35 = arith.constant 0 : index
    %swap3A_36 = vector.load %arg4[%swap3A, %swap3A_35] : memref<1x1xi32, #tpu.memory_space<vmem>>, vector<1x1xi32>
    tpu.vector_store %arg4[%swap3A, %swap3A_35], %reshape3A {strides = array<i32>} : memref<1x1xi32, #tpu.memory_space<vmem>>, vector<1x1xi32>,
    return
  }
}

module attributes {stable_mosaic.version = 14 : i64} {
  func.func @_tc_scan_body(%arg0: i32, %arg1: i32, %arg2: memref<16x16384xf32, #tpu.memory_space<vmem>>, %arg3: memref<16x128xf32, #tpu.memory_space<vmem>>, %arg4: memref<16x128xi32, #tpu.memory_space<vmem>>, %arg5: memref<16x128xf32, #tpu.memory_space<vmem>>, %arg6: memref<16x128xi32, #tpu.memory_space<vmem>>) attributes {dimension_semantics = [#tpu.dimension_semantics<arbitrary>, #tpu.dimension_semantics<arbitrary>], iteration_bounds = array<i64: 5, 2>, scalar_prefetch = 0 : i64, scratch_operands = 2 : i64, tpu.core_type = #tpu.core_type<tc>, window_params = [{transform_indices = @transform_0, window_bounds = array<i64: 16, 16384>}, {pipeline_mode = #tpu.pipeline_mode<synchronous>, transform_indices = @transform_1, window_bounds = array<i64: 16, 128>}, {pipeline_mode = #tpu.pipeline_mode<synchronous>, transform_indices = @transform_2, window_bounds = array<i64: 16, 128>}]} {
    %eq3A = arith.constant 0 : i32
    %eq3A_0 = arith.cmpi eq, %arg0, %eq3A : i32
    %eq3A_1 = arith.constant 0 : i32
    %eq3A_2 = arith.cmpi eq, %arg1, %eq3A_1 : i32
    %and3A = arith.andi %eq3A_0, %eq3A_2 : i1
    %convert_element_type3A = arith.extui %and3A : i1 to i32
    %cond3A = arith.constant 0 : i32
    %cond3A_3 = arith.cmpi ne, %convert_element_type3A, %cond3A : i32
    scf.if %cond3A_3 {
      %broadcast_in_dim3A = arith.constant 0xFF800000 : f32
      %broadcast_in_dim3A_1183 = vector.broadcast %broadcast_in_dim3A : f32 to vector<16x128xf32>
      %swap3A_1184 = arith.constant 0 : index
      %swap3A_1185 = arith.constant 0 : index
      %swap3A_1186 = vector.load %arg5[%swap3A_1184, %swap3A_1185] : memref<16x128xf32, #tpu.memory_space<vmem>>, vector<16x128xf32>
      tpu.vector_store %arg5[%swap3A_1184, %swap3A_1185], %broadcast_in_dim3A_1183 {strides = array<i32>} : memref<16x128xf32, #tpu.memory_space<vmem>>, vector<16x128xf32>,
      %broadcast_in_dim3A_1187 = arith.constant 0 : i32
      %broadcast_in_dim3A_1188 = vector.broadcast %broadcast_in_dim3A_1187 : i32 to vector<16x128xi32>
      %swap3A_1189 = arith.constant 0 : index
      %swap3A_1190 = arith.constant 0 : index
      %swap3A_1191 = vector.load %arg6[%swap3A_1189, %swap3A_1190] : memref<16x128xi32, #tpu.memory_space<vmem>>, vector<16x128xi32>
      tpu.vector_store %arg6[%swap3A_1189, %swap3A_1190], %broadcast_in_dim3A_1188 {strides = array<i32>} : memref<16x128xi32, #tpu.memory_space<vmem>>, vector<16x128xi32>,
    } else {
    }
    %iota3A = tpu.iota {dimensions = array<i32: 0>} : vector<16x128xi32>
    %mul3A = arith.constant 32768 : i32
    %mul3A_4 = vector.broadcast %mul3A : i32 to vector<16x128xi32>
    %mul3A_5 = arith.muli %iota3A, %mul3A_4 : vector<16x128xi32>
    %iota3A_6 = tpu.iota {dimensions = array<i32: 1>} : vector<16x128xi32>
    %add3A = arith.addi %mul3A_5, %iota3A_6 : vector<16x128xi32>
    %mul3A_7 = arith.constant 524288 : i32
    %mul3A_8 = arith.muli %arg0, %mul3A_7 : i32
    %add3A_9 = arith.constant 1572864 : i32
    %add3A_10 = arith.addi %add3A_9, %mul3A_8 : i32
    %mul3A_11 = arith.constant 16384 : i32
    %mul3A_12 = arith.muli %arg1, %mul3A_11 : i32
    %add3A_13 = arith.addi %add3A_10, %mul3A_12 : i32
    %add3A_14 = vector.broadcast %add3A_13 : i32 to vector<16x128xi32>
    %add3A_15 = arith.addi %add3A, %add3A_14 : vector<16x128xi32>
    %get3A = arith.constant 0 : index
    %get3A_16 = arith.constant 0 : index
    %get3A_17 = vector.load %arg5[%get3A, %get3A_16] : memref<16x128xf32, #tpu.memory_space<vmem>>, vector<16x128xf32>
    %get3A_18 = arith.constant 0 : index
    %get3A_19 = arith.constant 0 : index
    %get3A_20 = vector.load %arg6[%get3A_18, %get3A_19] : memref<16x128xi32, #tpu.memory_space<vmem>>, vector<16x128xi32>
    %get3A_21 = arith.constant 0 : index
    %get3A_22 = arith.constant 0 : index
    %get3A_23 = vector.load %arg2[%get3A_21, %get3A_22] : memref<16x16384xf32, #tpu.memory_space<vmem>>, vector<16x128xf32>
    %gt3A = arith.cmpf ogt, %get3A_23, %get3A_17 : vector<16x128xf32>
    %max3A = arith.maximumf %get3A_17, %get3A_23 : vector<16x128xf32>
    %add3A_24 = arith.constant 0 : i32
    %add3A_25 = vector.broadcast %add3A_24 : i32 to vector<16x128xi32>
    %add3A_26 = arith.addi %add3A_15, %add3A_25 : vector<16x128xi32>
    %select_n3A = arith.select %gt3A, %add3A_26, %get3A_20 : vector<16x128xi1>, vector<16x128xi32>
    %get3A_27 = arith.constant 0 : index
    %get3A_28 = arith.constant 128 : index
    %get3A_29 = vector.load %arg2[%get3A_27, %get3A_28] : memref<16x16384xf32, #tpu.memory_space<vmem>>, vector<16x128xf32>
    %gt3A_30 = arith.cmpf ogt, %get3A_29, %max3A : vector<16x128xf32>
    %max3A_31 = arith.maximumf %max3A, %get3A_29 : vector<16x128xf32>
    %add3A_32 = arith.constant 128 : i32
    %add3A_33 = vector.broadcast %add3A_32 : i32 to vector<16x128xi32>
    %add3A_34 = arith.addi %add3A_15, %add3A_33 : vector<16x128xi32>
    %select_n3A_35 = arith.select %gt3A_30, %add3A_34, %select_n3A : vector<16x128xi1>, vector<16x128xi32>
    %get3A_36 = arith.constant 0 : index
    %get3A_37 = arith.constant 256 : index
    %get3A_38 = vector.load %arg2[%get3A_36, %get3A_37] : memref<16x16384xf32, #tpu.memory_space<vmem>>, vector<16x128xf32>
    %gt3A_39 = arith.cmpf ogt, %get3A_38, %max3A_31 : vector<16x128xf32>
    %max3A_40 = arith.maximumf %max3A_31, %get3A_38 : vector<16x128xf32>
    %add3A_41 = arith.constant 256 : i32
    %add3A_42 = vector.broadcast %add3A_41 : i32 to vector<16x128xi32>
    %add3A_43 = arith.addi %add3A_15, %add3A_42 : vector<16x128xi32>
    %select_n3A_44 = arith.select %gt3A_39, %add3A_43, %select_n3A_35 : vector<16x128xi1>, vector<16x128xi32>
    %get3A_45 = arith.constant 0 : index
    %get3A_46 = arith.constant 384 : index
    %get3A_47 = vector.load %arg2[%get3A_45, %get3A_46] : memref<16x16384xf32, #tpu.memory_space<vmem>>, vector<16x128xf32>
    %gt3A_48 = arith.cmpf ogt, %get3A_47, %max3A_40 : vector<16x128xf32>
    %max3A_49 = arith.maximumf %max3A_40, %get3A_47 : vector<16x128xf32>
    %add3A_50 = arith.constant 384 : i32
    %add3A_51 = vector.broadcast %add3A_50 : i32 to vector<16x128xi32>
    %add3A_52 = arith.addi %add3A_15, %add3A_51 : vector<16x128xi32>
    %select_n3A_53 = arith.select %gt3A_48, %add3A_52, %select_n3A_44 : vector<16x128xi1>, vector<16x128xi32>
    %get3A_54 = arith.constant 0 : index
    %get3A_55 = arith.constant 512 : index
    %get3A_56 = vector.load %arg2[%get3A_54, %get3A_55] : memref<16x16384xf32, #tpu.memory_space<vmem>>, vector<16x128xf32>
    %gt3A_57 = arith.cmpf ogt, %get3A_56, %max3A_49 : vector<16x128xf32>
    %max3A_58 = arith.maximumf %max3A_49, %get3A_56 : vector<16x128xf32>
    %add3A_59 = arith.constant 512 : i32
    %add3A_60 = vector.broadcast %add3A_59 : i32 to vector<16x128xi32>
    %add3A_61 = arith.addi %add3A_15, %add3A_60 : vector<16x128xi32>
    %select_n3A_62 = arith.select %gt3A_57, %add3A_61, %select_n3A_53 : vector<16x128xi1>, vector<16x128xi32>
    %get3A_63 = arith.constant 0 : index
    %get3A_64 = arith.constant 640 : index
    %get3A_65 = vector.load %arg2[%get3A_63, %get3A_64] : memref<16x16384xf32, #tpu.memory_space<vmem>>, vector<16x128xf32>
    %gt3A_66 = arith.cmpf ogt, %get3A_65, %max3A_58 : vector<16x128xf32>
    %max3A_67 = arith.maximumf %max3A_58, %get3A_65 : vector<16x128xf32>
    %add3A_68 = arith.constant 640 : i32
    %add3A_69 = vector.broadcast %add3A_68 : i32 to vector<16x128xi32>
    %add3A_70 = arith.addi %add3A_15, %add3A_69 : vector<16x128xi32>
    %select_n3A_71 = arith.select %gt3A_66, %add3A_70, %select_n3A_62 : vector<16x128xi1>, vector<16x128xi32>
    %get3A_72 = arith.constant 0 : index
    %get3A_73 = arith.constant 768 : index
    %get3A_74 = vector.load %arg2[%get3A_72, %get3A_73] : memref<16x16384xf32, #tpu.memory_space<vmem>>, vector<16x128xf32>
    %gt3A_75 = arith.cmpf ogt, %get3A_74, %max3A_67 : vector<16x128xf32>
    %max3A_76 = arith.maximumf %max3A_67, %get3A_74 : vector<16x128xf32>
    %add3A_77 = arith.constant 768 : i32
    %add3A_78 = vector.broadcast %add3A_77 : i32 to vector<16x128xi32>
    %add3A_79 = arith.addi %add3A_15, %add3A_78 : vector<16x128xi32>
    %select_n3A_80 = arith.select %gt3A_75, %add3A_79, %select_n3A_71 : vector<16x128xi1>, vector<16x128xi32>
    %get3A_81 = arith.constant 0 : index
    %get3A_82 = arith.constant 896 : index
    %get3A_83 = vector.load %arg2[%get3A_81, %get3A_82] : memref<16x16384xf32, #tpu.memory_space<vmem>>, vector<16x128xf32>
    %gt3A_84 = arith.cmpf ogt, %get3A_83, %max3A_76 : vector<16x128xf32>
    %max3A_85 = arith.maximumf %max3A_76, %get3A_83 : vector<16x128xf32>
    %add3A_86 = arith.constant 896 : i32
    %add3A_87 = vector.broadcast %add3A_86 : i32 to vector<16x128xi32>
    %add3A_88 = arith.addi %add3A_15, %add3A_87 : vector<16x128xi32>
    %select_n3A_89 = arith.select %gt3A_84, %add3A_88, %select_n3A_80 : vector<16x128xi1>, vector<16x128xi32>
    %get3A_90 = arith.constant 0 : index
    %get3A_91 = arith.constant 1024 : index
    %get3A_92 = vector.load %arg2[%get3A_90, %get3A_91] : memref<16x16384xf32, #tpu.memory_space<vmem>>, vector<16x128xf32>
    %gt3A_93 = arith.cmpf ogt, %get3A_92, %max3A_85 : vector<16x128xf32>
    %max3A_94 = arith.maximumf %max3A_85, %get3A_92 : vector<16x128xf32>
    %add3A_95 = arith.constant 1024 : i32
    %add3A_96 = vector.broadcast %add3A_95 : i32 to vector<16x128xi32>
    %add3A_97 = arith.addi %add3A_15, %add3A_96 : vector<16x128xi32>
    %select_n3A_98 = arith.select %gt3A_93, %add3A_97, %select_n3A_89 : vector<16x128xi1>, vector<16x128xi32>
    %get3A_99 = arith.constant 0 : index
    %get3A_100 = arith.constant 1152 : index
    %get3A_101 = vector.load %arg2[%get3A_99, %get3A_100] : memref<16x16384xf32, #tpu.memory_space<vmem>>, vector<16x128xf32>
    %gt3A_102 = arith.cmpf ogt, %get3A_101, %max3A_94 : vector<16x128xf32>
    %max3A_103 = arith.maximumf %max3A_94, %get3A_101 : vector<16x128xf32>
    %add3A_104 = arith.constant 1152 : i32
    %add3A_105 = vector.broadcast %add3A_104 : i32 to vector<16x128xi32>
    %add3A_106 = arith.addi %add3A_15, %add3A_105 : vector<16x128xi32>
    %select_n3A_107 = arith.select %gt3A_102, %add3A_106, %select_n3A_98 : vector<16x128xi1>, vector<16x128xi32>
    %get3A_108 = arith.constant 0 : index
    %get3A_109 = arith.constant 1280 : index
    %get3A_110 = vector.load %arg2[%get3A_108, %get3A_109] : memref<16x16384xf32, #tpu.memory_space<vmem>>, vector<16x128xf32>
    %gt3A_111 = arith.cmpf ogt, %get3A_110, %max3A_103 : vector<16x128xf32>
    %max3A_112 = arith.maximumf %max3A_103, %get3A_110 : vector<16x128xf32>
    %add3A_113 = arith.constant 1280 : i32
    %add3A_114 = vector.broadcast %add3A_113 : i32 to vector<16x128xi32>
    %add3A_115 = arith.addi %add3A_15, %add3A_114 : vector<16x128xi32>
    %select_n3A_116 = arith.select %gt3A_111, %add3A_115, %select_n3A_107 : vector<16x128xi1>, vector<16x128xi32>
    %get3A_117 = arith.constant 0 : index
    %get3A_118 = arith.constant 1408 : index
    %get3A_119 = vector.load %arg2[%get3A_117, %get3A_118] : memref<16x16384xf32, #tpu.memory_space<vmem>>, vector<16x128xf32>
    %gt3A_120 = arith.cmpf ogt, %get3A_119, %max3A_112 : vector<16x128xf32>
    %max3A_121 = arith.maximumf %max3A_112, %get3A_119 : vector<16x128xf32>
    %add3A_122 = arith.constant 1408 : i32
    %add3A_123 = vector.broadcast %add3A_122 : i32 to vector<16x128xi32>
    %add3A_124 = arith.addi %add3A_15, %add3A_123 : vector<16x128xi32>
    %select_n3A_125 = arith.select %gt3A_120, %add3A_124, %select_n3A_116 : vector<16x128xi1>, vector<16x128xi32>
    %get3A_126 = arith.constant 0 : index
    %get3A_127 = arith.constant 1536 : index
    %get3A_128 = vector.load %arg2[%get3A_126, %get3A_127] : memref<16x16384xf32, #tpu.memory_space<vmem>>, vector<16x128xf32>
    %gt3A_129 = arith.cmpf ogt, %get3A_128, %max3A_121 : vector<16x128xf32>
    %max3A_130 = arith.maximumf %max3A_121, %get3A_128 : vector<16x128xf32>
    %add3A_131 = arith.constant 1536 : i32
    %add3A_132 = vector.broadcast %add3A_131 : i32 to vector<16x128xi32>
    %add3A_133 = arith.addi %add3A_15, %add3A_132 : vector<16x128xi32>
    %select_n3A_134 = arith.select %gt3A_129, %add3A_133, %select_n3A_125 : vector<16x128xi1>, vector<16x128xi32>
    %get3A_135 = arith.constant 0 : index
    %get3A_136 = arith.constant 1664 : index
    %get3A_137 = vector.load %arg2[%get3A_135, %get3A_136] : memref<16x16384xf32, #tpu.memory_space<vmem>>, vector<16x128xf32>
    %gt3A_138 = arith.cmpf ogt, %get3A_137, %max3A_130 : vector<16x128xf32>
    %max3A_139 = arith.maximumf %max3A_130, %get3A_137 : vector<16x128xf32>
    %add3A_140 = arith.constant 1664 : i32
    %add3A_141 = vector.broadcast %add3A_140 : i32 to vector<16x128xi32>
    %add3A_142 = arith.addi %add3A_15, %add3A_141 : vector<16x128xi32>
    %select_n3A_143 = arith.select %gt3A_138, %add3A_142, %select_n3A_134 : vector<16x128xi1>, vector<16x128xi32>
    %get3A_144 = arith.constant 0 : index
    %get3A_145 = arith.constant 1792 : index
    %get3A_146 = vector.load %arg2[%get3A_144, %get3A_145] : memref<16x16384xf32, #tpu.memory_space<vmem>>, vector<16x128xf32>
    %gt3A_147 = arith.cmpf ogt, %get3A_146, %max3A_139 : vector<16x128xf32>
    %max3A_148 = arith.maximumf %max3A_139, %get3A_146 : vector<16x128xf32>
    %add3A_149 = arith.constant 1792 : i32
    %add3A_150 = vector.broadcast %add3A_149 : i32 to vector<16x128xi32>
    %add3A_151 = arith.addi %add3A_15, %add3A_150 : vector<16x128xi32>
    %select_n3A_152 = arith.select %gt3A_147, %add3A_151, %select_n3A_143 : vector<16x128xi1>, vector<16x128xi32>
    %get3A_153 = arith.constant 0 : index
    %get3A_154 = arith.constant 1920 : index
    %get3A_155 = vector.load %arg2[%get3A_153, %get3A_154] : memref<16x16384xf32, #tpu.memory_space<vmem>>, vector<16x128xf32>
    %gt3A_156 = arith.cmpf ogt, %get3A_155, %max3A_148 : vector<16x128xf32>
    %max3A_157 = arith.maximumf %max3A_148, %get3A_155 : vector<16x128xf32>
    %add3A_158 = arith.constant 1920 : i32
    %add3A_159 = vector.broadcast %add3A_158 : i32 to vector<16x128xi32>
    %add3A_160 = arith.addi %add3A_15, %add3A_159 : vector<16x128xi32>
    %select_n3A_161 = arith.select %gt3A_156, %add3A_160, %select_n3A_152 : vector<16x128xi1>, vector<16x128xi32>
    %get3A_162 = arith.constant 0 : index
    %get3A_163 = arith.constant 2048 : index
    %get3A_164 = vector.load %arg2[%get3A_162, %get3A_163] : memref<16x16384xf32, #tpu.memory_space<vmem>>, vector<16x128xf32>
    %gt3A_165 = arith.cmpf ogt, %get3A_164, %max3A_157 : vector<16x128xf32>
    %max3A_166 = arith.maximumf %max3A_157, %get3A_164 : vector<16x128xf32>
    %add3A_167 = arith.constant 2048 : i32
    %add3A_168 = vector.broadcast %add3A_167 : i32 to vector<16x128xi32>
    %add3A_169 = arith.addi %add3A_15, %add3A_168 : vector<16x128xi32>
    %select_n3A_170 = arith.select %gt3A_165, %add3A_169, %select_n3A_161 : vector<16x128xi1>, vector<16x128xi32>
    %get3A_171 = arith.constant 0 : index
    %get3A_172 = arith.constant 2176 : index
    %get3A_173 = vector.load %arg2[%get3A_171, %get3A_172] : memref<16x16384xf32, #tpu.memory_space<vmem>>, vector<16x128xf32>
    %gt3A_174 = arith.cmpf ogt, %get3A_173, %max3A_166 : vector<16x128xf32>
    %max3A_175 = arith.maximumf %max3A_166, %get3A_173 : vector<16x128xf32>
    %add3A_176 = arith.constant 2176 : i32
    %add3A_177 = vector.broadcast %add3A_176 : i32 to vector<16x128xi32>
    %add3A_178 = arith.addi %add3A_15, %add3A_177 : vector<16x128xi32>
    %select_n3A_179 = arith.select %gt3A_174, %add3A_178, %select_n3A_170 : vector<16x128xi1>, vector<16x128xi32>
    %get3A_180 = arith.constant 0 : index
    %get3A_181 = arith.constant 2304 : index
    %get3A_182 = vector.load %arg2[%get3A_180, %get3A_181] : memref<16x16384xf32, #tpu.memory_space<vmem>>, vector<16x128xf32>
    %gt3A_183 = arith.cmpf ogt, %get3A_182, %max3A_175 : vector<16x128xf32>
    %max3A_184 = arith.maximumf %max3A_175, %get3A_182 : vector<16x128xf32>
    %add3A_185 = arith.constant 2304 : i32
    %add3A_186 = vector.broadcast %add3A_185 : i32 to vector<16x128xi32>
    %add3A_187 = arith.addi %add3A_15, %add3A_186 : vector<16x128xi32>
    %select_n3A_188 = arith.select %gt3A_183, %add3A_187, %select_n3A_179 : vector<16x128xi1>, vector<16x128xi32>
    %get3A_189 = arith.constant 0 : index
    %get3A_190 = arith.constant 2432 : index
    %get3A_191 = vector.load %arg2[%get3A_189, %get3A_190] : memref<16x16384xf32, #tpu.memory_space<vmem>>, vector<16x128xf32>
    %gt3A_192 = arith.cmpf ogt, %get3A_191, %max3A_184 : vector<16x128xf32>
    %max3A_193 = arith.maximumf %max3A_184, %get3A_191 : vector<16x128xf32>
    %add3A_194 = arith.constant 2432 : i32
    %add3A_195 = vector.broadcast %add3A_194 : i32 to vector<16x128xi32>
    %add3A_196 = arith.addi %add3A_15, %add3A_195 : vector<16x128xi32>
    %select_n3A_197 = arith.select %gt3A_192, %add3A_196, %select_n3A_188 : vector<16x128xi1>, vector<16x128xi32>
    %get3A_198 = arith.constant 0 : index
    %get3A_199 = arith.constant 2560 : index
    %get3A_200 = vector.load %arg2[%get3A_198, %get3A_199] : memref<16x16384xf32, #tpu.memory_space<vmem>>, vector<16x128xf32>
    %gt3A_201 = arith.cmpf ogt, %get3A_200, %max3A_193 : vector<16x128xf32>
    %max3A_202 = arith.maximumf %max3A_193, %get3A_200 : vector<16x128xf32>
    %add3A_203 = arith.constant 2560 : i32
    %add3A_204 = vector.broadcast %add3A_203 : i32 to vector<16x128xi32>
    %add3A_205 = arith.addi %add3A_15, %add3A_204 : vector<16x128xi32>
    %select_n3A_206 = arith.select %gt3A_201, %add3A_205, %select_n3A_197 : vector<16x128xi1>, vector<16x128xi32>
    %get3A_207 = arith.constant 0 : index
    %get3A_208 = arith.constant 2688 : index
    %get3A_209 = vector.load %arg2[%get3A_207, %get3A_208] : memref<16x16384xf32, #tpu.memory_space<vmem>>, vector<16x128xf32>
    %gt3A_210 = arith.cmpf ogt, %get3A_209, %max3A_202 : vector<16x128xf32>
    %max3A_211 = arith.maximumf %max3A_202, %get3A_209 : vector<16x128xf32>
    %add3A_212 = arith.constant 2688 : i32
    %add3A_213 = vector.broadcast %add3A_212 : i32 to vector<16x128xi32>
    %add3A_214 = arith.addi %add3A_15, %add3A_213 : vector<16x128xi32>
    %select_n3A_215 = arith.select %gt3A_210, %add3A_214, %select_n3A_206 : vector<16x128xi1>, vector<16x128xi32>
    %get3A_216 = arith.constant 0 : index
    %get3A_217 = arith.constant 2816 : index
    %get3A_218 = vector.load %arg2[%get3A_216, %get3A_217] : memref<16x16384xf32, #tpu.memory_space<vmem>>, vector<16x128xf32>
    %gt3A_219 = arith.cmpf ogt, %get3A_218, %max3A_211 : vector<16x128xf32>
    %max3A_220 = arith.maximumf %max3A_211, %get3A_218 : vector<16x128xf32>
    %add3A_221 = arith.constant 2816 : i32
    %add3A_222 = vector.broadcast %add3A_221 : i32 to vector<16x128xi32>
    %add3A_223 = arith.addi %add3A_15, %add3A_222 : vector<16x128xi32>
    %select_n3A_224 = arith.select %gt3A_219, %add3A_223, %select_n3A_215 : vector<16x128xi1>, vector<16x128xi32>
    %get3A_225 = arith.constant 0 : index
    %get3A_226 = arith.constant 2944 : index
    %get3A_227 = vector.load %arg2[%get3A_225, %get3A_226] : memref<16x16384xf32, #tpu.memory_space<vmem>>, vector<16x128xf32>
    %gt3A_228 = arith.cmpf ogt, %get3A_227, %max3A_220 : vector<16x128xf32>
    %max3A_229 = arith.maximumf %max3A_220, %get3A_227 : vector<16x128xf32>
    %add3A_230 = arith.constant 2944 : i32
    %add3A_231 = vector.broadcast %add3A_230 : i32 to vector<16x128xi32>
    %add3A_232 = arith.addi %add3A_15, %add3A_231 : vector<16x128xi32>
    %select_n3A_233 = arith.select %gt3A_228, %add3A_232, %select_n3A_224 : vector<16x128xi1>, vector<16x128xi32>
    %get3A_234 = arith.constant 0 : index
    %get3A_235 = arith.constant 3072 : index
    %get3A_236 = vector.load %arg2[%get3A_234, %get3A_235] : memref<16x16384xf32, #tpu.memory_space<vmem>>, vector<16x128xf32>
    %gt3A_237 = arith.cmpf ogt, %get3A_236, %max3A_229 : vector<16x128xf32>
    %max3A_238 = arith.maximumf %max3A_229, %get3A_236 : vector<16x128xf32>
    %add3A_239 = arith.constant 3072 : i32
    %add3A_240 = vector.broadcast %add3A_239 : i32 to vector<16x128xi32>
    %add3A_241 = arith.addi %add3A_15, %add3A_240 : vector<16x128xi32>
    %select_n3A_242 = arith.select %gt3A_237, %add3A_241, %select_n3A_233 : vector<16x128xi1>, vector<16x128xi32>
    %get3A_243 = arith.constant 0 : index
    %get3A_244 = arith.constant 3200 : index
    %get3A_245 = vector.load %arg2[%get3A_243, %get3A_244] : memref<16x16384xf32, #tpu.memory_space<vmem>>, vector<16x128xf32>
    %gt3A_246 = arith.cmpf ogt, %get3A_245, %max3A_238 : vector<16x128xf32>
    %max3A_247 = arith.maximumf %max3A_238, %get3A_245 : vector<16x128xf32>
    %add3A_248 = arith.constant 3200 : i32
    %add3A_249 = vector.broadcast %add3A_248 : i32 to vector<16x128xi32>
    %add3A_250 = arith.addi %add3A_15, %add3A_249 : vector<16x128xi32>
    %select_n3A_251 = arith.select %gt3A_246, %add3A_250, %select_n3A_242 : vector<16x128xi1>, vector<16x128xi32>
    %get3A_252 = arith.constant 0 : index
    %get3A_253 = arith.constant 3328 : index
    %get3A_254 = vector.load %arg2[%get3A_252, %get3A_253] : memref<16x16384xf32, #tpu.memory_space<vmem>>, vector<16x128xf32>
    %gt3A_255 = arith.cmpf ogt, %get3A_254, %max3A_247 : vector<16x128xf32>
    %max3A_256 = arith.maximumf %max3A_247, %get3A_254 : vector<16x128xf32>
    %add3A_257 = arith.constant 3328 : i32
    %add3A_258 = vector.broadcast %add3A_257 : i32 to vector<16x128xi32>
    %add3A_259 = arith.addi %add3A_15, %add3A_258 : vector<16x128xi32>
    %select_n3A_260 = arith.select %gt3A_255, %add3A_259, %select_n3A_251 : vector<16x128xi1>, vector<16x128xi32>
    %get3A_261 = arith.constant 0 : index
    %get3A_262 = arith.constant 3456 : index
    %get3A_263 = vector.load %arg2[%get3A_261, %get3A_262] : memref<16x16384xf32, #tpu.memory_space<vmem>>, vector<16x128xf32>
    %gt3A_264 = arith.cmpf ogt, %get3A_263, %max3A_256 : vector<16x128xf32>
    %max3A_265 = arith.maximumf %max3A_256, %get3A_263 : vector<16x128xf32>
    %add3A_266 = arith.constant 3456 : i32
    %add3A_267 = vector.broadcast %add3A_266 : i32 to vector<16x128xi32>
    %add3A_268 = arith.addi %add3A_15, %add3A_267 : vector<16x128xi32>
    %select_n3A_269 = arith.select %gt3A_264, %add3A_268, %select_n3A_260 : vector<16x128xi1>, vector<16x128xi32>
    %get3A_270 = arith.constant 0 : index
    %get3A_271 = arith.constant 3584 : index
    %get3A_272 = vector.load %arg2[%get3A_270, %get3A_271] : memref<16x16384xf32, #tpu.memory_space<vmem>>, vector<16x128xf32>
    %gt3A_273 = arith.cmpf ogt, %get3A_272, %max3A_265 : vector<16x128xf32>
    %max3A_274 = arith.maximumf %max3A_265, %get3A_272 : vector<16x128xf32>
    %add3A_275 = arith.constant 3584 : i32
    %add3A_276 = vector.broadcast %add3A_275 : i32 to vector<16x128xi32>
    %add3A_277 = arith.addi %add3A_15, %add3A_276 : vector<16x128xi32>
    %select_n3A_278 = arith.select %gt3A_273, %add3A_277, %select_n3A_269 : vector<16x128xi1>, vector<16x128xi32>
    %get3A_279 = arith.constant 0 : index
    %get3A_280 = arith.constant 3712 : index
    %get3A_281 = vector.load %arg2[%get3A_279, %get3A_280] : memref<16x16384xf32, #tpu.memory_space<vmem>>, vector<16x128xf32>
    %gt3A_282 = arith.cmpf ogt, %get3A_281, %max3A_274 : vector<16x128xf32>
    %max3A_283 = arith.maximumf %max3A_274, %get3A_281 : vector<16x128xf32>
    %add3A_284 = arith.constant 3712 : i32
    %add3A_285 = vector.broadcast %add3A_284 : i32 to vector<16x128xi32>
    %add3A_286 = arith.addi %add3A_15, %add3A_285 : vector<16x128xi32>
    %select_n3A_287 = arith.select %gt3A_282, %add3A_286, %select_n3A_278 : vector<16x128xi1>, vector<16x128xi32>
    %get3A_288 = arith.constant 0 : index
    %get3A_289 = arith.constant 3840 : index
    %get3A_290 = vector.load %arg2[%get3A_288, %get3A_289] : memref<16x16384xf32, #tpu.memory_space<vmem>>, vector<16x128xf32>
    %gt3A_291 = arith.cmpf ogt, %get3A_290, %max3A_283 : vector<16x128xf32>
    %max3A_292 = arith.maximumf %max3A_283, %get3A_290 : vector<16x128xf32>
    %add3A_293 = arith.constant 3840 : i32
    %add3A_294 = vector.broadcast %add3A_293 : i32 to vector<16x128xi32>
    %add3A_295 = arith.addi %add3A_15, %add3A_294 : vector<16x128xi32>
    %select_n3A_296 = arith.select %gt3A_291, %add3A_295, %select_n3A_287 : vector<16x128xi1>, vector<16x128xi32>
    %get3A_297 = arith.constant 0 : index
    %get3A_298 = arith.constant 3968 : index
    %get3A_299 = vector.load %arg2[%get3A_297, %get3A_298] : memref<16x16384xf32, #tpu.memory_space<vmem>>, vector<16x128xf32>
    %gt3A_300 = arith.cmpf ogt, %get3A_299, %max3A_292 : vector<16x128xf32>
    %max3A_301 = arith.maximumf %max3A_292, %get3A_299 : vector<16x128xf32>
    %add3A_302 = arith.constant 3968 : i32
    %add3A_303 = vector.broadcast %add3A_302 : i32 to vector<16x128xi32>
    %add3A_304 = arith.addi %add3A_15, %add3A_303 : vector<16x128xi32>
    %select_n3A_305 = arith.select %gt3A_300, %add3A_304, %select_n3A_296 : vector<16x128xi1>, vector<16x128xi32>
    %get3A_306 = arith.constant 0 : index
    %get3A_307 = arith.constant 4096 : index
    %get3A_308 = vector.load %arg2[%get3A_306, %get3A_307] : memref<16x16384xf32, #tpu.memory_space<vmem>>, vector<16x128xf32>
    %gt3A_309 = arith.cmpf ogt, %get3A_308, %max3A_301 : vector<16x128xf32>
    %max3A_310 = arith.maximumf %max3A_301, %get3A_308 : vector<16x128xf32>
    %add3A_311 = arith.constant 4096 : i32
    %add3A_312 = vector.broadcast %add3A_311 : i32 to vector<16x128xi32>
    %add3A_313 = arith.addi %add3A_15, %add3A_312 : vector<16x128xi32>
    %select_n3A_314 = arith.select %gt3A_309, %add3A_313, %select_n3A_305 : vector<16x128xi1>, vector<16x128xi32>
    %get3A_315 = arith.constant 0 : index
    %get3A_316 = arith.constant 4224 : index
    %get3A_317 = vector.load %arg2[%get3A_315, %get3A_316] : memref<16x16384xf32, #tpu.memory_space<vmem>>, vector<16x128xf32>
    %gt3A_318 = arith.cmpf ogt, %get3A_317, %max3A_310 : vector<16x128xf32>
    %max3A_319 = arith.maximumf %max3A_310, %get3A_317 : vector<16x128xf32>
    %add3A_320 = arith.constant 4224 : i32
    %add3A_321 = vector.broadcast %add3A_320 : i32 to vector<16x128xi32>
    %add3A_322 = arith.addi %add3A_15, %add3A_321 : vector<16x128xi32>
    %select_n3A_323 = arith.select %gt3A_318, %add3A_322, %select_n3A_314 : vector<16x128xi1>, vector<16x128xi32>
    %get3A_324 = arith.constant 0 : index
    %get3A_325 = arith.constant 4352 : index
    %get3A_326 = vector.load %arg2[%get3A_324, %get3A_325] : memref<16x16384xf32, #tpu.memory_space<vmem>>, vector<16x128xf32>
    %gt3A_327 = arith.cmpf ogt, %get3A_326, %max3A_319 : vector<16x128xf32>
    %max3A_328 = arith.maximumf %max3A_319, %get3A_326 : vector<16x128xf32>
    %add3A_329 = arith.constant 4352 : i32
    %add3A_330 = vector.broadcast %add3A_329 : i32 to vector<16x128xi32>
    %add3A_331 = arith.addi %add3A_15, %add3A_330 : vector<16x128xi32>
    %select_n3A_332 = arith.select %gt3A_327, %add3A_331, %select_n3A_323 : vector<16x128xi1>, vector<16x128xi32>
    %get3A_333 = arith.constant 0 : index
    %get3A_334 = arith.constant 4480 : index
    %get3A_335 = vector.load %arg2[%get3A_333, %get3A_334] : memref<16x16384xf32, #tpu.memory_space<vmem>>, vector<16x128xf32>
    %gt3A_336 = arith.cmpf ogt, %get3A_335, %max3A_328 : vector<16x128xf32>
    %max3A_337 = arith.maximumf %max3A_328, %get3A_335 : vector<16x128xf32>
    %add3A_338 = arith.constant 4480 : i32
    %add3A_339 = vector.broadcast %add3A_338 : i32 to vector<16x128xi32>
    %add3A_340 = arith.addi %add3A_15, %add3A_339 : vector<16x128xi32>
    %select_n3A_341 = arith.select %gt3A_336, %add3A_340, %select_n3A_332 : vector<16x128xi1>, vector<16x128xi32>
    %get3A_342 = arith.constant 0 : index
    %get3A_343 = arith.constant 4608 : index
    %get3A_344 = vector.load %arg2[%get3A_342, %get3A_343] : memref<16x16384xf32, #tpu.memory_space<vmem>>, vector<16x128xf32>
    %gt3A_345 = arith.cmpf ogt, %get3A_344, %max3A_337 : vector<16x128xf32>
    %max3A_346 = arith.maximumf %max3A_337, %get3A_344 : vector<16x128xf32>
    %add3A_347 = arith.constant 4608 : i32
    %add3A_348 = vector.broadcast %add3A_347 : i32 to vector<16x128xi32>
    %add3A_349 = arith.addi %add3A_15, %add3A_348 : vector<16x128xi32>
    %select_n3A_350 = arith.select %gt3A_345, %add3A_349, %select_n3A_341 : vector<16x128xi1>, vector<16x128xi32>
    %get3A_351 = arith.constant 0 : index
    %get3A_352 = arith.constant 4736 : index
    %get3A_353 = vector.load %arg2[%get3A_351, %get3A_352] : memref<16x16384xf32, #tpu.memory_space<vmem>>, vector<16x128xf32>
    %gt3A_354 = arith.cmpf ogt, %get3A_353, %max3A_346 : vector<16x128xf32>
    %max3A_355 = arith.maximumf %max3A_346, %get3A_353 : vector<16x128xf32>
    %add3A_356 = arith.constant 4736 : i32
    %add3A_357 = vector.broadcast %add3A_356 : i32 to vector<16x128xi32>
    %add3A_358 = arith.addi %add3A_15, %add3A_357 : vector<16x128xi32>
    %select_n3A_359 = arith.select %gt3A_354, %add3A_358, %select_n3A_350 : vector<16x128xi1>, vector<16x128xi32>
    %get3A_360 = arith.constant 0 : index
    %get3A_361 = arith.constant 4864 : index
    %get3A_362 = vector.load %arg2[%get3A_360, %get3A_361] : memref<16x16384xf32, #tpu.memory_space<vmem>>, vector<16x128xf32>
    %gt3A_363 = arith.cmpf ogt, %get3A_362, %max3A_355 : vector<16x128xf32>
    %max3A_364 = arith.maximumf %max3A_355, %get3A_362 : vector<16x128xf32>
    %add3A_365 = arith.constant 4864 : i32
    %add3A_366 = vector.broadcast %add3A_365 : i32 to vector<16x128xi32>
    %add3A_367 = arith.addi %add3A_15, %add3A_366 : vector<16x128xi32>
    %select_n3A_368 = arith.select %gt3A_363, %add3A_367, %select_n3A_359 : vector<16x128xi1>, vector<16x128xi32>
    %get3A_369 = arith.constant 0 : index
    %get3A_370 = arith.constant 4992 : index
    %get3A_371 = vector.load %arg2[%get3A_369, %get3A_370] : memref<16x16384xf32, #tpu.memory_space<vmem>>, vector<16x128xf32>
    %gt3A_372 = arith.cmpf ogt, %get3A_371, %max3A_364 : vector<16x128xf32>
    %max3A_373 = arith.maximumf %max3A_364, %get3A_371 : vector<16x128xf32>
    %add3A_374 = arith.constant 4992 : i32
    %add3A_375 = vector.broadcast %add3A_374 : i32 to vector<16x128xi32>
    %add3A_376 = arith.addi %add3A_15, %add3A_375 : vector<16x128xi32>
    %select_n3A_377 = arith.select %gt3A_372, %add3A_376, %select_n3A_368 : vector<16x128xi1>, vector<16x128xi32>
    %get3A_378 = arith.constant 0 : index
    %get3A_379 = arith.constant 5120 : index
    %get3A_380 = vector.load %arg2[%get3A_378, %get3A_379] : memref<16x16384xf32, #tpu.memory_space<vmem>>, vector<16x128xf32>
    %gt3A_381 = arith.cmpf ogt, %get3A_380, %max3A_373 : vector<16x128xf32>
    %max3A_382 = arith.maximumf %max3A_373, %get3A_380 : vector<16x128xf32>
    %add3A_383 = arith.constant 5120 : i32
    %add3A_384 = vector.broadcast %add3A_383 : i32 to vector<16x128xi32>
    %add3A_385 = arith.addi %add3A_15, %add3A_384 : vector<16x128xi32>
    %select_n3A_386 = arith.select %gt3A_381, %add3A_385, %select_n3A_377 : vector<16x128xi1>, vector<16x128xi32>
    %get3A_387 = arith.constant 0 : index
    %get3A_388 = arith.constant 5248 : index
    %get3A_389 = vector.load %arg2[%get3A_387, %get3A_388] : memref<16x16384xf32, #tpu.memory_space<vmem>>, vector<16x128xf32>
    %gt3A_390 = arith.cmpf ogt, %get3A_389, %max3A_382 : vector<16x128xf32>
    %max3A_391 = arith.maximumf %max3A_382, %get3A_389 : vector<16x128xf32>
    %add3A_392 = arith.constant 5248 : i32
    %add3A_393 = vector.broadcast %add3A_392 : i32 to vector<16x128xi32>
    %add3A_394 = arith.addi %add3A_15, %add3A_393 : vector<16x128xi32>
    %select_n3A_395 = arith.select %gt3A_390, %add3A_394, %select_n3A_386 : vector<16x128xi1>, vector<16x128xi32>
    %get3A_396 = arith.constant 0 : index
    %get3A_397 = arith.constant 5376 : index
    %get3A_398 = vector.load %arg2[%get3A_396, %get3A_397] : memref<16x16384xf32, #tpu.memory_space<vmem>>, vector<16x128xf32>
    %gt3A_399 = arith.cmpf ogt, %get3A_398, %max3A_391 : vector<16x128xf32>
    %max3A_400 = arith.maximumf %max3A_391, %get3A_398 : vector<16x128xf32>
    %add3A_401 = arith.constant 5376 : i32
    %add3A_402 = vector.broadcast %add3A_401 : i32 to vector<16x128xi32>
    %add3A_403 = arith.addi %add3A_15, %add3A_402 : vector<16x128xi32>
    %select_n3A_404 = arith.select %gt3A_399, %add3A_403, %select_n3A_395 : vector<16x128xi1>, vector<16x128xi32>
    %get3A_405 = arith.constant 0 : index
    %get3A_406 = arith.constant 5504 : index
    %get3A_407 = vector.load %arg2[%get3A_405, %get3A_406] : memref<16x16384xf32, #tpu.memory_space<vmem>>, vector<16x128xf32>
    %gt3A_408 = arith.cmpf ogt, %get3A_407, %max3A_400 : vector<16x128xf32>
    %max3A_409 = arith.maximumf %max3A_400, %get3A_407 : vector<16x128xf32>
    %add3A_410 = arith.constant 5504 : i32
    %add3A_411 = vector.broadcast %add3A_410 : i32 to vector<16x128xi32>
    %add3A_412 = arith.addi %add3A_15, %add3A_411 : vector<16x128xi32>
    %select_n3A_413 = arith.select %gt3A_408, %add3A_412, %select_n3A_404 : vector<16x128xi1>, vector<16x128xi32>
    %get3A_414 = arith.constant 0 : index
    %get3A_415 = arith.constant 5632 : index
    %get3A_416 = vector.load %arg2[%get3A_414, %get3A_415] : memref<16x16384xf32, #tpu.memory_space<vmem>>, vector<16x128xf32>
    %gt3A_417 = arith.cmpf ogt, %get3A_416, %max3A_409 : vector<16x128xf32>
    %max3A_418 = arith.maximumf %max3A_409, %get3A_416 : vector<16x128xf32>
    %add3A_419 = arith.constant 5632 : i32
    %add3A_420 = vector.broadcast %add3A_419 : i32 to vector<16x128xi32>
    %add3A_421 = arith.addi %add3A_15, %add3A_420 : vector<16x128xi32>
    %select_n3A_422 = arith.select %gt3A_417, %add3A_421, %select_n3A_413 : vector<16x128xi1>, vector<16x128xi32>
    %get3A_423 = arith.constant 0 : index
    %get3A_424 = arith.constant 5760 : index
    %get3A_425 = vector.load %arg2[%get3A_423, %get3A_424] : memref<16x16384xf32, #tpu.memory_space<vmem>>, vector<16x128xf32>
    %gt3A_426 = arith.cmpf ogt, %get3A_425, %max3A_418 : vector<16x128xf32>
    %max3A_427 = arith.maximumf %max3A_418, %get3A_425 : vector<16x128xf32>
    %add3A_428 = arith.constant 5760 : i32
    %add3A_429 = vector.broadcast %add3A_428 : i32 to vector<16x128xi32>
    %add3A_430 = arith.addi %add3A_15, %add3A_429 : vector<16x128xi32>
    %select_n3A_431 = arith.select %gt3A_426, %add3A_430, %select_n3A_422 : vector<16x128xi1>, vector<16x128xi32>
    %get3A_432 = arith.constant 0 : index
    %get3A_433 = arith.constant 5888 : index
    %get3A_434 = vector.load %arg2[%get3A_432, %get3A_433] : memref<16x16384xf32, #tpu.memory_space<vmem>>, vector<16x128xf32>
    %gt3A_435 = arith.cmpf ogt, %get3A_434, %max3A_427 : vector<16x128xf32>
    %max3A_436 = arith.maximumf %max3A_427, %get3A_434 : vector<16x128xf32>
    %add3A_437 = arith.constant 5888 : i32
    %add3A_438 = vector.broadcast %add3A_437 : i32 to vector<16x128xi32>
    %add3A_439 = arith.addi %add3A_15, %add3A_438 : vector<16x128xi32>
    %select_n3A_440 = arith.select %gt3A_435, %add3A_439, %select_n3A_431 : vector<16x128xi1>, vector<16x128xi32>
    %get3A_441 = arith.constant 0 : index
    %get3A_442 = arith.constant 6016 : index
    %get3A_443 = vector.load %arg2[%get3A_441, %get3A_442] : memref<16x16384xf32, #tpu.memory_space<vmem>>, vector<16x128xf32>
    %gt3A_444 = arith.cmpf ogt, %get3A_443, %max3A_436 : vector<16x128xf32>
    %max3A_445 = arith.maximumf %max3A_436, %get3A_443 : vector<16x128xf32>
    %add3A_446 = arith.constant 6016 : i32
    %add3A_447 = vector.broadcast %add3A_446 : i32 to vector<16x128xi32>
    %add3A_448 = arith.addi %add3A_15, %add3A_447 : vector<16x128xi32>
    %select_n3A_449 = arith.select %gt3A_444, %add3A_448, %select_n3A_440 : vector<16x128xi1>, vector<16x128xi32>
    %get3A_450 = arith.constant 0 : index
    %get3A_451 = arith.constant 6144 : index
    %get3A_452 = vector.load %arg2[%get3A_450, %get3A_451] : memref<16x16384xf32, #tpu.memory_space<vmem>>, vector<16x128xf32>
    %gt3A_453 = arith.cmpf ogt, %get3A_452, %max3A_445 : vector<16x128xf32>
    %max3A_454 = arith.maximumf %max3A_445, %get3A_452 : vector<16x128xf32>
    %add3A_455 = arith.constant 6144 : i32
    %add3A_456 = vector.broadcast %add3A_455 : i32 to vector<16x128xi32>
    %add3A_457 = arith.addi %add3A_15, %add3A_456 : vector<16x128xi32>
    %select_n3A_458 = arith.select %gt3A_453, %add3A_457, %select_n3A_449 : vector<16x128xi1>, vector<16x128xi32>
    %get3A_459 = arith.constant 0 : index
    %get3A_460 = arith.constant 6272 : index
    %get3A_461 = vector.load %arg2[%get3A_459, %get3A_460] : memref<16x16384xf32, #tpu.memory_space<vmem>>, vector<16x128xf32>
    %gt3A_462 = arith.cmpf ogt, %get3A_461, %max3A_454 : vector<16x128xf32>
    %max3A_463 = arith.maximumf %max3A_454, %get3A_461 : vector<16x128xf32>
    %add3A_464 = arith.constant 6272 : i32
    %add3A_465 = vector.broadcast %add3A_464 : i32 to vector<16x128xi32>
    %add3A_466 = arith.addi %add3A_15, %add3A_465 : vector<16x128xi32>
    %select_n3A_467 = arith.select %gt3A_462, %add3A_466, %select_n3A_458 : vector<16x128xi1>, vector<16x128xi32>
    %get3A_468 = arith.constant 0 : index
    %get3A_469 = arith.constant 6400 : index
    %get3A_470 = vector.load %arg2[%get3A_468, %get3A_469] : memref<16x16384xf32, #tpu.memory_space<vmem>>, vector<16x128xf32>
    %gt3A_471 = arith.cmpf ogt, %get3A_470, %max3A_463 : vector<16x128xf32>
    %max3A_472 = arith.maximumf %max3A_463, %get3A_470 : vector<16x128xf32>
    %add3A_473 = arith.constant 6400 : i32
    %add3A_474 = vector.broadcast %add3A_473 : i32 to vector<16x128xi32>
    %add3A_475 = arith.addi %add3A_15, %add3A_474 : vector<16x128xi32>
    %select_n3A_476 = arith.select %gt3A_471, %add3A_475, %select_n3A_467 : vector<16x128xi1>, vector<16x128xi32>
    %get3A_477 = arith.constant 0 : index
    %get3A_478 = arith.constant 6528 : index
    %get3A_479 = vector.load %arg2[%get3A_477, %get3A_478] : memref<16x16384xf32, #tpu.memory_space<vmem>>, vector<16x128xf32>
    %gt3A_480 = arith.cmpf ogt, %get3A_479, %max3A_472 : vector<16x128xf32>
    %max3A_481 = arith.maximumf %max3A_472, %get3A_479 : vector<16x128xf32>
    %add3A_482 = arith.constant 6528 : i32
    %add3A_483 = vector.broadcast %add3A_482 : i32 to vector<16x128xi32>
    %add3A_484 = arith.addi %add3A_15, %add3A_483 : vector<16x128xi32>
    %select_n3A_485 = arith.select %gt3A_480, %add3A_484, %select_n3A_476 : vector<16x128xi1>, vector<16x128xi32>
    %get3A_486 = arith.constant 0 : index
    %get3A_487 = arith.constant 6656 : index
    %get3A_488 = vector.load %arg2[%get3A_486, %get3A_487] : memref<16x16384xf32, #tpu.memory_space<vmem>>, vector<16x128xf32>
    %gt3A_489 = arith.cmpf ogt, %get3A_488, %max3A_481 : vector<16x128xf32>
    %max3A_490 = arith.maximumf %max3A_481, %get3A_488 : vector<16x128xf32>
    %add3A_491 = arith.constant 6656 : i32
    %add3A_492 = vector.broadcast %add3A_491 : i32 to vector<16x128xi32>
    %add3A_493 = arith.addi %add3A_15, %add3A_492 : vector<16x128xi32>
    %select_n3A_494 = arith.select %gt3A_489, %add3A_493, %select_n3A_485 : vector<16x128xi1>, vector<16x128xi32>
    %get3A_495 = arith.constant 0 : index
    %get3A_496 = arith.constant 6784 : index
    %get3A_497 = vector.load %arg2[%get3A_495, %get3A_496] : memref<16x16384xf32, #tpu.memory_space<vmem>>, vector<16x128xf32>
    %gt3A_498 = arith.cmpf ogt, %get3A_497, %max3A_490 : vector<16x128xf32>
    %max3A_499 = arith.maximumf %max3A_490, %get3A_497 : vector<16x128xf32>
    %add3A_500 = arith.constant 6784 : i32
    %add3A_501 = vector.broadcast %add3A_500 : i32 to vector<16x128xi32>
    %add3A_502 = arith.addi %add3A_15, %add3A_501 : vector<16x128xi32>
    %select_n3A_503 = arith.select %gt3A_498, %add3A_502, %select_n3A_494 : vector<16x128xi1>, vector<16x128xi32>
    %get3A_504 = arith.constant 0 : index
    %get3A_505 = arith.constant 6912 : index
    %get3A_506 = vector.load %arg2[%get3A_504, %get3A_505] : memref<16x16384xf32, #tpu.memory_space<vmem>>, vector<16x128xf32>
    %gt3A_507 = arith.cmpf ogt, %get3A_506, %max3A_499 : vector<16x128xf32>
    %max3A_508 = arith.maximumf %max3A_499, %get3A_506 : vector<16x128xf32>
    %add3A_509 = arith.constant 6912 : i32
    %add3A_510 = vector.broadcast %add3A_509 : i32 to vector<16x128xi32>
    %add3A_511 = arith.addi %add3A_15, %add3A_510 : vector<16x128xi32>
    %select_n3A_512 = arith.select %gt3A_507, %add3A_511, %select_n3A_503 : vector<16x128xi1>, vector<16x128xi32>
    %get3A_513 = arith.constant 0 : index
    %get3A_514 = arith.constant 7040 : index
    %get3A_515 = vector.load %arg2[%get3A_513, %get3A_514] : memref<16x16384xf32, #tpu.memory_space<vmem>>, vector<16x128xf32>
    %gt3A_516 = arith.cmpf ogt, %get3A_515, %max3A_508 : vector<16x128xf32>
    %max3A_517 = arith.maximumf %max3A_508, %get3A_515 : vector<16x128xf32>
    %add3A_518 = arith.constant 7040 : i32
    %add3A_519 = vector.broadcast %add3A_518 : i32 to vector<16x128xi32>
    %add3A_520 = arith.addi %add3A_15, %add3A_519 : vector<16x128xi32>
    %select_n3A_521 = arith.select %gt3A_516, %add3A_520, %select_n3A_512 : vector<16x128xi1>, vector<16x128xi32>
    %get3A_522 = arith.constant 0 : index
    %get3A_523 = arith.constant 7168 : index
    %get3A_524 = vector.load %arg2[%get3A_522, %get3A_523] : memref<16x16384xf32, #tpu.memory_space<vmem>>, vector<16x128xf32>
    %gt3A_525 = arith.cmpf ogt, %get3A_524, %max3A_517 : vector<16x128xf32>
    %max3A_526 = arith.maximumf %max3A_517, %get3A_524 : vector<16x128xf32>
    %add3A_527 = arith.constant 7168 : i32
    %add3A_528 = vector.broadcast %add3A_527 : i32 to vector<16x128xi32>
    %add3A_529 = arith.addi %add3A_15, %add3A_528 : vector<16x128xi32>
    %select_n3A_530 = arith.select %gt3A_525, %add3A_529, %select_n3A_521 : vector<16x128xi1>, vector<16x128xi32>
    %get3A_531 = arith.constant 0 : index
    %get3A_532 = arith.constant 7296 : index
    %get3A_533 = vector.load %arg2[%get3A_531, %get3A_532] : memref<16x16384xf32, #tpu.memory_space<vmem>>, vector<16x128xf32>
    %gt3A_534 = arith.cmpf ogt, %get3A_533, %max3A_526 : vector<16x128xf32>
    %max3A_535 = arith.maximumf %max3A_526, %get3A_533 : vector<16x128xf32>
    %add3A_536 = arith.constant 7296 : i32
    %add3A_537 = vector.broadcast %add3A_536 : i32 to vector<16x128xi32>
    %add3A_538 = arith.addi %add3A_15, %add3A_537 : vector<16x128xi32>
    %select_n3A_539 = arith.select %gt3A_534, %add3A_538, %select_n3A_530 : vector<16x128xi1>, vector<16x128xi32>
    %get3A_540 = arith.constant 0 : index
    %get3A_541 = arith.constant 7424 : index
    %get3A_542 = vector.load %arg2[%get3A_540, %get3A_541] : memref<16x16384xf32, #tpu.memory_space<vmem>>, vector<16x128xf32>
    %gt3A_543 = arith.cmpf ogt, %get3A_542, %max3A_535 : vector<16x128xf32>
    %max3A_544 = arith.maximumf %max3A_535, %get3A_542 : vector<16x128xf32>
    %add3A_545 = arith.constant 7424 : i32
    %add3A_546 = vector.broadcast %add3A_545 : i32 to vector<16x128xi32>
    %add3A_547 = arith.addi %add3A_15, %add3A_546 : vector<16x128xi32>
    %select_n3A_548 = arith.select %gt3A_543, %add3A_547, %select_n3A_539 : vector<16x128xi1>, vector<16x128xi32>
    %get3A_549 = arith.constant 0 : index
    %get3A_550 = arith.constant 7552 : index
    %get3A_551 = vector.load %arg2[%get3A_549, %get3A_550] : memref<16x16384xf32, #tpu.memory_space<vmem>>, vector<16x128xf32>
    %gt3A_552 = arith.cmpf ogt, %get3A_551, %max3A_544 : vector<16x128xf32>
    %max3A_553 = arith.maximumf %max3A_544, %get3A_551 : vector<16x128xf32>
    %add3A_554 = arith.constant 7552 : i32
    %add3A_555 = vector.broadcast %add3A_554 : i32 to vector<16x128xi32>
    %add3A_556 = arith.addi %add3A_15, %add3A_555 : vector<16x128xi32>
    %select_n3A_557 = arith.select %gt3A_552, %add3A_556, %select_n3A_548 : vector<16x128xi1>, vector<16x128xi32>
    %get3A_558 = arith.constant 0 : index
    %get3A_559 = arith.constant 7680 : index
    %get3A_560 = vector.load %arg2[%get3A_558, %get3A_559] : memref<16x16384xf32, #tpu.memory_space<vmem>>, vector<16x128xf32>
    %gt3A_561 = arith.cmpf ogt, %get3A_560, %max3A_553 : vector<16x128xf32>
    %max3A_562 = arith.maximumf %max3A_553, %get3A_560 : vector<16x128xf32>
    %add3A_563 = arith.constant 7680 : i32
    %add3A_564 = vector.broadcast %add3A_563 : i32 to vector<16x128xi32>
    %add3A_565 = arith.addi %add3A_15, %add3A_564 : vector<16x128xi32>
    %select_n3A_566 = arith.select %gt3A_561, %add3A_565, %select_n3A_557 : vector<16x128xi1>, vector<16x128xi32>
    %get3A_567 = arith.constant 0 : index
    %get3A_568 = arith.constant 7808 : index
    %get3A_569 = vector.load %arg2[%get3A_567, %get3A_568] : memref<16x16384xf32, #tpu.memory_space<vmem>>, vector<16x128xf32>
    %gt3A_570 = arith.cmpf ogt, %get3A_569, %max3A_562 : vector<16x128xf32>
    %max3A_571 = arith.maximumf %max3A_562, %get3A_569 : vector<16x128xf32>
    %add3A_572 = arith.constant 7808 : i32
    %add3A_573 = vector.broadcast %add3A_572 : i32 to vector<16x128xi32>
    %add3A_574 = arith.addi %add3A_15, %add3A_573 : vector<16x128xi32>
    %select_n3A_575 = arith.select %gt3A_570, %add3A_574, %select_n3A_566 : vector<16x128xi1>, vector<16x128xi32>
    %get3A_576 = arith.constant 0 : index
    %get3A_577 = arith.constant 7936 : index
    %get3A_578 = vector.load %arg2[%get3A_576, %get3A_577] : memref<16x16384xf32, #tpu.memory_space<vmem>>, vector<16x128xf32>
    %gt3A_579 = arith.cmpf ogt, %get3A_578, %max3A_571 : vector<16x128xf32>
    %max3A_580 = arith.maximumf %max3A_571, %get3A_578 : vector<16x128xf32>
    %add3A_581 = arith.constant 7936 : i32
    %add3A_582 = vector.broadcast %add3A_581 : i32 to vector<16x128xi32>
    %add3A_583 = arith.addi %add3A_15, %add3A_582 : vector<16x128xi32>
    %select_n3A_584 = arith.select %gt3A_579, %add3A_583, %select_n3A_575 : vector<16x128xi1>, vector<16x128xi32>
    %get3A_585 = arith.constant 0 : index
    %get3A_586 = arith.constant 8064 : index
    %get3A_587 = vector.load %arg2[%get3A_585, %get3A_586] : memref<16x16384xf32, #tpu.memory_space<vmem>>, vector<16x128xf32>
    %gt3A_588 = arith.cmpf ogt, %get3A_587, %max3A_580 : vector<16x128xf32>
    %max3A_589 = arith.maximumf %max3A_580, %get3A_587 : vector<16x128xf32>
    %add3A_590 = arith.constant 8064 : i32
    %add3A_591 = vector.broadcast %add3A_590 : i32 to vector<16x128xi32>
    %add3A_592 = arith.addi %add3A_15, %add3A_591 : vector<16x128xi32>
    %select_n3A_593 = arith.select %gt3A_588, %add3A_592, %select_n3A_584 : vector<16x128xi1>, vector<16x128xi32>
    %get3A_594 = arith.constant 0 : index
    %get3A_595 = arith.constant 8192 : index
    %get3A_596 = vector.load %arg2[%get3A_594, %get3A_595] : memref<16x16384xf32, #tpu.memory_space<vmem>>, vector<16x128xf32>
    %gt3A_597 = arith.cmpf ogt, %get3A_596, %max3A_589 : vector<16x128xf32>
    %max3A_598 = arith.maximumf %max3A_589, %get3A_596 : vector<16x128xf32>
    %add3A_599 = arith.constant 8192 : i32
    %add3A_600 = vector.broadcast %add3A_599 : i32 to vector<16x128xi32>
    %add3A_601 = arith.addi %add3A_15, %add3A_600 : vector<16x128xi32>
    %select_n3A_602 = arith.select %gt3A_597, %add3A_601, %select_n3A_593 : vector<16x128xi1>, vector<16x128xi32>
    %get3A_603 = arith.constant 0 : index
    %get3A_604 = arith.constant 8320 : index
    %get3A_605 = vector.load %arg2[%get3A_603, %get3A_604] : memref<16x16384xf32, #tpu.memory_space<vmem>>, vector<16x128xf32>
    %gt3A_606 = arith.cmpf ogt, %get3A_605, %max3A_598 : vector<16x128xf32>
    %max3A_607 = arith.maximumf %max3A_598, %get3A_605 : vector<16x128xf32>
    %add3A_608 = arith.constant 8320 : i32
    %add3A_609 = vector.broadcast %add3A_608 : i32 to vector<16x128xi32>
    %add3A_610 = arith.addi %add3A_15, %add3A_609 : vector<16x128xi32>
    %select_n3A_611 = arith.select %gt3A_606, %add3A_610, %select_n3A_602 : vector<16x128xi1>, vector<16x128xi32>
    %get3A_612 = arith.constant 0 : index
    %get3A_613 = arith.constant 8448 : index
    %get3A_614 = vector.load %arg2[%get3A_612, %get3A_613] : memref<16x16384xf32, #tpu.memory_space<vmem>>, vector<16x128xf32>
    %gt3A_615 = arith.cmpf ogt, %get3A_614, %max3A_607 : vector<16x128xf32>
    %max3A_616 = arith.maximumf %max3A_607, %get3A_614 : vector<16x128xf32>
    %add3A_617 = arith.constant 8448 : i32
    %add3A_618 = vector.broadcast %add3A_617 : i32 to vector<16x128xi32>
    %add3A_619 = arith.addi %add3A_15, %add3A_618 : vector<16x128xi32>
    %select_n3A_620 = arith.select %gt3A_615, %add3A_619, %select_n3A_611 : vector<16x128xi1>, vector<16x128xi32>
    %get3A_621 = arith.constant 0 : index
    %get3A_622 = arith.constant 8576 : index
    %get3A_623 = vector.load %arg2[%get3A_621, %get3A_622] : memref<16x16384xf32, #tpu.memory_space<vmem>>, vector<16x128xf32>
    %gt3A_624 = arith.cmpf ogt, %get3A_623, %max3A_616 : vector<16x128xf32>
    %max3A_625 = arith.maximumf %max3A_616, %get3A_623 : vector<16x128xf32>
    %add3A_626 = arith.constant 8576 : i32
    %add3A_627 = vector.broadcast %add3A_626 : i32 to vector<16x128xi32>
    %add3A_628 = arith.addi %add3A_15, %add3A_627 : vector<16x128xi32>
    %select_n3A_629 = arith.select %gt3A_624, %add3A_628, %select_n3A_620 : vector<16x128xi1>, vector<16x128xi32>
    %get3A_630 = arith.constant 0 : index
    %get3A_631 = arith.constant 8704 : index
    %get3A_632 = vector.load %arg2[%get3A_630, %get3A_631] : memref<16x16384xf32, #tpu.memory_space<vmem>>, vector<16x128xf32>
    %gt3A_633 = arith.cmpf ogt, %get3A_632, %max3A_625 : vector<16x128xf32>
    %max3A_634 = arith.maximumf %max3A_625, %get3A_632 : vector<16x128xf32>
    %add3A_635 = arith.constant 8704 : i32
    %add3A_636 = vector.broadcast %add3A_635 : i32 to vector<16x128xi32>
    %add3A_637 = arith.addi %add3A_15, %add3A_636 : vector<16x128xi32>
    %select_n3A_638 = arith.select %gt3A_633, %add3A_637, %select_n3A_629 : vector<16x128xi1>, vector<16x128xi32>
    %get3A_639 = arith.constant 0 : index
    %get3A_640 = arith.constant 8832 : index
    %get3A_641 = vector.load %arg2[%get3A_639, %get3A_640] : memref<16x16384xf32, #tpu.memory_space<vmem>>, vector<16x128xf32>
    %gt3A_642 = arith.cmpf ogt, %get3A_641, %max3A_634 : vector<16x128xf32>
    %max3A_643 = arith.maximumf %max3A_634, %get3A_641 : vector<16x128xf32>
    %add3A_644 = arith.constant 8832 : i32
    %add3A_645 = vector.broadcast %add3A_644 : i32 to vector<16x128xi32>
    %add3A_646 = arith.addi %add3A_15, %add3A_645 : vector<16x128xi32>
    %select_n3A_647 = arith.select %gt3A_642, %add3A_646, %select_n3A_638 : vector<16x128xi1>, vector<16x128xi32>
    %get3A_648 = arith.constant 0 : index
    %get3A_649 = arith.constant 8960 : index
    %get3A_650 = vector.load %arg2[%get3A_648, %get3A_649] : memref<16x16384xf32, #tpu.memory_space<vmem>>, vector<16x128xf32>
    %gt3A_651 = arith.cmpf ogt, %get3A_650, %max3A_643 : vector<16x128xf32>
    %max3A_652 = arith.maximumf %max3A_643, %get3A_650 : vector<16x128xf32>
    %add3A_653 = arith.constant 8960 : i32
    %add3A_654 = vector.broadcast %add3A_653 : i32 to vector<16x128xi32>
    %add3A_655 = arith.addi %add3A_15, %add3A_654 : vector<16x128xi32>
    %select_n3A_656 = arith.select %gt3A_651, %add3A_655, %select_n3A_647 : vector<16x128xi1>, vector<16x128xi32>
    %get3A_657 = arith.constant 0 : index
    %get3A_658 = arith.constant 9088 : index
    %get3A_659 = vector.load %arg2[%get3A_657, %get3A_658] : memref<16x16384xf32, #tpu.memory_space<vmem>>, vector<16x128xf32>
    %gt3A_660 = arith.cmpf ogt, %get3A_659, %max3A_652 : vector<16x128xf32>
    %max3A_661 = arith.maximumf %max3A_652, %get3A_659 : vector<16x128xf32>
    %add3A_662 = arith.constant 9088 : i32
    %add3A_663 = vector.broadcast %add3A_662 : i32 to vector<16x128xi32>
    %add3A_664 = arith.addi %add3A_15, %add3A_663 : vector<16x128xi32>
    %select_n3A_665 = arith.select %gt3A_660, %add3A_664, %select_n3A_656 : vector<16x128xi1>, vector<16x128xi32>
    %get3A_666 = arith.constant 0 : index
    %get3A_667 = arith.constant 9216 : index
    %get3A_668 = vector.load %arg2[%get3A_666, %get3A_667] : memref<16x16384xf32, #tpu.memory_space<vmem>>, vector<16x128xf32>
    %gt3A_669 = arith.cmpf ogt, %get3A_668, %max3A_661 : vector<16x128xf32>
    %max3A_670 = arith.maximumf %max3A_661, %get3A_668 : vector<16x128xf32>
    %add3A_671 = arith.constant 9216 : i32
    %add3A_672 = vector.broadcast %add3A_671 : i32 to vector<16x128xi32>
    %add3A_673 = arith.addi %add3A_15, %add3A_672 : vector<16x128xi32>
    %select_n3A_674 = arith.select %gt3A_669, %add3A_673, %select_n3A_665 : vector<16x128xi1>, vector<16x128xi32>
    %get3A_675 = arith.constant 0 : index
    %get3A_676 = arith.constant 9344 : index
    %get3A_677 = vector.load %arg2[%get3A_675, %get3A_676] : memref<16x16384xf32, #tpu.memory_space<vmem>>, vector<16x128xf32>
    %gt3A_678 = arith.cmpf ogt, %get3A_677, %max3A_670 : vector<16x128xf32>
    %max3A_679 = arith.maximumf %max3A_670, %get3A_677 : vector<16x128xf32>
    %add3A_680 = arith.constant 9344 : i32
    %add3A_681 = vector.broadcast %add3A_680 : i32 to vector<16x128xi32>
    %add3A_682 = arith.addi %add3A_15, %add3A_681 : vector<16x128xi32>
    %select_n3A_683 = arith.select %gt3A_678, %add3A_682, %select_n3A_674 : vector<16x128xi1>, vector<16x128xi32>
    %get3A_684 = arith.constant 0 : index
    %get3A_685 = arith.constant 9472 : index
    %get3A_686 = vector.load %arg2[%get3A_684, %get3A_685] : memref<16x16384xf32, #tpu.memory_space<vmem>>, vector<16x128xf32>
    %gt3A_687 = arith.cmpf ogt, %get3A_686, %max3A_679 : vector<16x128xf32>
    %max3A_688 = arith.maximumf %max3A_679, %get3A_686 : vector<16x128xf32>
    %add3A_689 = arith.constant 9472 : i32
    %add3A_690 = vector.broadcast %add3A_689 : i32 to vector<16x128xi32>
    %add3A_691 = arith.addi %add3A_15, %add3A_690 : vector<16x128xi32>
    %select_n3A_692 = arith.select %gt3A_687, %add3A_691, %select_n3A_683 : vector<16x128xi1>, vector<16x128xi32>
    %get3A_693 = arith.constant 0 : index
    %get3A_694 = arith.constant 9600 : index
    %get3A_695 = vector.load %arg2[%get3A_693, %get3A_694] : memref<16x16384xf32, #tpu.memory_space<vmem>>, vector<16x128xf32>
    %gt3A_696 = arith.cmpf ogt, %get3A_695, %max3A_688 : vector<16x128xf32>
    %max3A_697 = arith.maximumf %max3A_688, %get3A_695 : vector<16x128xf32>
    %add3A_698 = arith.constant 9600 : i32
    %add3A_699 = vector.broadcast %add3A_698 : i32 to vector<16x128xi32>
    %add3A_700 = arith.addi %add3A_15, %add3A_699 : vector<16x128xi32>
    %select_n3A_701 = arith.select %gt3A_696, %add3A_700, %select_n3A_692 : vector<16x128xi1>, vector<16x128xi32>
    %get3A_702 = arith.constant 0 : index
    %get3A_703 = arith.constant 9728 : index
    %get3A_704 = vector.load %arg2[%get3A_702, %get3A_703] : memref<16x16384xf32, #tpu.memory_space<vmem>>, vector<16x128xf32>
    %gt3A_705 = arith.cmpf ogt, %get3A_704, %max3A_697 : vector<16x128xf32>
    %max3A_706 = arith.maximumf %max3A_697, %get3A_704 : vector<16x128xf32>
    %add3A_707 = arith.constant 9728 : i32
    %add3A_708 = vector.broadcast %add3A_707 : i32 to vector<16x128xi32>
    %add3A_709 = arith.addi %add3A_15, %add3A_708 : vector<16x128xi32>
    %select_n3A_710 = arith.select %gt3A_705, %add3A_709, %select_n3A_701 : vector<16x128xi1>, vector<16x128xi32>
    %get3A_711 = arith.constant 0 : index
    %get3A_712 = arith.constant 9856 : index
    %get3A_713 = vector.load %arg2[%get3A_711, %get3A_712] : memref<16x16384xf32, #tpu.memory_space<vmem>>, vector<16x128xf32>
    %gt3A_714 = arith.cmpf ogt, %get3A_713, %max3A_706 : vector<16x128xf32>
    %max3A_715 = arith.maximumf %max3A_706, %get3A_713 : vector<16x128xf32>
    %add3A_716 = arith.constant 9856 : i32
    %add3A_717 = vector.broadcast %add3A_716 : i32 to vector<16x128xi32>
    %add3A_718 = arith.addi %add3A_15, %add3A_717 : vector<16x128xi32>
    %select_n3A_719 = arith.select %gt3A_714, %add3A_718, %select_n3A_710 : vector<16x128xi1>, vector<16x128xi32>
    %get3A_720 = arith.constant 0 : index
    %get3A_721 = arith.constant 9984 : index
    %get3A_722 = vector.load %arg2[%get3A_720, %get3A_721] : memref<16x16384xf32, #tpu.memory_space<vmem>>, vector<16x128xf32>
    %gt3A_723 = arith.cmpf ogt, %get3A_722, %max3A_715 : vector<16x128xf32>
    %max3A_724 = arith.maximumf %max3A_715, %get3A_722 : vector<16x128xf32>
    %add3A_725 = arith.constant 9984 : i32
    %add3A_726 = vector.broadcast %add3A_725 : i32 to vector<16x128xi32>
    %add3A_727 = arith.addi %add3A_15, %add3A_726 : vector<16x128xi32>
    %select_n3A_728 = arith.select %gt3A_723, %add3A_727, %select_n3A_719 : vector<16x128xi1>, vector<16x128xi32>
    %get3A_729 = arith.constant 0 : index
    %get3A_730 = arith.constant 10112 : index
    %get3A_731 = vector.load %arg2[%get3A_729, %get3A_730] : memref<16x16384xf32, #tpu.memory_space<vmem>>, vector<16x128xf32>
    %gt3A_732 = arith.cmpf ogt, %get3A_731, %max3A_724 : vector<16x128xf32>
    %max3A_733 = arith.maximumf %max3A_724, %get3A_731 : vector<16x128xf32>
    %add3A_734 = arith.constant 10112 : i32
    %add3A_735 = vector.broadcast %add3A_734 : i32 to vector<16x128xi32>
    %add3A_736 = arith.addi %add3A_15, %add3A_735 : vector<16x128xi32>
    %select_n3A_737 = arith.select %gt3A_732, %add3A_736, %select_n3A_728 : vector<16x128xi1>, vector<16x128xi32>
    %get3A_738 = arith.constant 0 : index
    %get3A_739 = arith.constant 10240 : index
    %get3A_740 = vector.load %arg2[%get3A_738, %get3A_739] : memref<16x16384xf32, #tpu.memory_space<vmem>>, vector<16x128xf32>
    %gt3A_741 = arith.cmpf ogt, %get3A_740, %max3A_733 : vector<16x128xf32>
    %max3A_742 = arith.maximumf %max3A_733, %get3A_740 : vector<16x128xf32>
    %add3A_743 = arith.constant 10240 : i32
    %add3A_744 = vector.broadcast %add3A_743 : i32 to vector<16x128xi32>
    %add3A_745 = arith.addi %add3A_15, %add3A_744 : vector<16x128xi32>
    %select_n3A_746 = arith.select %gt3A_741, %add3A_745, %select_n3A_737 : vector<16x128xi1>, vector<16x128xi32>
    %get3A_747 = arith.constant 0 : index
    %get3A_748 = arith.constant 10368 : index
    %get3A_749 = vector.load %arg2[%get3A_747, %get3A_748] : memref<16x16384xf32, #tpu.memory_space<vmem>>, vector<16x128xf32>
    %gt3A_750 = arith.cmpf ogt, %get3A_749, %max3A_742 : vector<16x128xf32>
    %max3A_751 = arith.maximumf %max3A_742, %get3A_749 : vector<16x128xf32>
    %add3A_752 = arith.constant 10368 : i32
    %add3A_753 = vector.broadcast %add3A_752 : i32 to vector<16x128xi32>
    %add3A_754 = arith.addi %add3A_15, %add3A_753 : vector<16x128xi32>
    %select_n3A_755 = arith.select %gt3A_750, %add3A_754, %select_n3A_746 : vector<16x128xi1>, vector<16x128xi32>
    %get3A_756 = arith.constant 0 : index
    %get3A_757 = arith.constant 10496 : index
    %get3A_758 = vector.load %arg2[%get3A_756, %get3A_757] : memref<16x16384xf32, #tpu.memory_space<vmem>>, vector<16x128xf32>
    %gt3A_759 = arith.cmpf ogt, %get3A_758, %max3A_751 : vector<16x128xf32>
    %max3A_760 = arith.maximumf %max3A_751, %get3A_758 : vector<16x128xf32>
    %add3A_761 = arith.constant 10496 : i32
    %add3A_762 = vector.broadcast %add3A_761 : i32 to vector<16x128xi32>
    %add3A_763 = arith.addi %add3A_15, %add3A_762 : vector<16x128xi32>
    %select_n3A_764 = arith.select %gt3A_759, %add3A_763, %select_n3A_755 : vector<16x128xi1>, vector<16x128xi32>
    %get3A_765 = arith.constant 0 : index
    %get3A_766 = arith.constant 10624 : index
    %get3A_767 = vector.load %arg2[%get3A_765, %get3A_766] : memref<16x16384xf32, #tpu.memory_space<vmem>>, vector<16x128xf32>
    %gt3A_768 = arith.cmpf ogt, %get3A_767, %max3A_760 : vector<16x128xf32>
    %max3A_769 = arith.maximumf %max3A_760, %get3A_767 : vector<16x128xf32>
    %add3A_770 = arith.constant 10624 : i32
    %add3A_771 = vector.broadcast %add3A_770 : i32 to vector<16x128xi32>
    %add3A_772 = arith.addi %add3A_15, %add3A_771 : vector<16x128xi32>
    %select_n3A_773 = arith.select %gt3A_768, %add3A_772, %select_n3A_764 : vector<16x128xi1>, vector<16x128xi32>
    %get3A_774 = arith.constant 0 : index
    %get3A_775 = arith.constant 10752 : index
    %get3A_776 = vector.load %arg2[%get3A_774, %get3A_775] : memref<16x16384xf32, #tpu.memory_space<vmem>>, vector<16x128xf32>
    %gt3A_777 = arith.cmpf ogt, %get3A_776, %max3A_769 : vector<16x128xf32>
    %max3A_778 = arith.maximumf %max3A_769, %get3A_776 : vector<16x128xf32>
    %add3A_779 = arith.constant 10752 : i32
    %add3A_780 = vector.broadcast %add3A_779 : i32 to vector<16x128xi32>
    %add3A_781 = arith.addi %add3A_15, %add3A_780 : vector<16x128xi32>
    %select_n3A_782 = arith.select %gt3A_777, %add3A_781, %select_n3A_773 : vector<16x128xi1>, vector<16x128xi32>
    %get3A_783 = arith.constant 0 : index
    %get3A_784 = arith.constant 10880 : index
    %get3A_785 = vector.load %arg2[%get3A_783, %get3A_784] : memref<16x16384xf32, #tpu.memory_space<vmem>>, vector<16x128xf32>
    %gt3A_786 = arith.cmpf ogt, %get3A_785, %max3A_778 : vector<16x128xf32>
    %max3A_787 = arith.maximumf %max3A_778, %get3A_785 : vector<16x128xf32>
    %add3A_788 = arith.constant 10880 : i32
    %add3A_789 = vector.broadcast %add3A_788 : i32 to vector<16x128xi32>
    %add3A_790 = arith.addi %add3A_15, %add3A_789 : vector<16x128xi32>
    %select_n3A_791 = arith.select %gt3A_786, %add3A_790, %select_n3A_782 : vector<16x128xi1>, vector<16x128xi32>
    %get3A_792 = arith.constant 0 : index
    %get3A_793 = arith.constant 11008 : index
    %get3A_794 = vector.load %arg2[%get3A_792, %get3A_793] : memref<16x16384xf32, #tpu.memory_space<vmem>>, vector<16x128xf32>
    %gt3A_795 = arith.cmpf ogt, %get3A_794, %max3A_787 : vector<16x128xf32>
    %max3A_796 = arith.maximumf %max3A_787, %get3A_794 : vector<16x128xf32>
    %add3A_797 = arith.constant 11008 : i32
    %add3A_798 = vector.broadcast %add3A_797 : i32 to vector<16x128xi32>
    %add3A_799 = arith.addi %add3A_15, %add3A_798 : vector<16x128xi32>
    %select_n3A_800 = arith.select %gt3A_795, %add3A_799, %select_n3A_791 : vector<16x128xi1>, vector<16x128xi32>
    %get3A_801 = arith.constant 0 : index
    %get3A_802 = arith.constant 11136 : index
    %get3A_803 = vector.load %arg2[%get3A_801, %get3A_802] : memref<16x16384xf32, #tpu.memory_space<vmem>>, vector<16x128xf32>
    %gt3A_804 = arith.cmpf ogt, %get3A_803, %max3A_796 : vector<16x128xf32>
    %max3A_805 = arith.maximumf %max3A_796, %get3A_803 : vector<16x128xf32>
    %add3A_806 = arith.constant 11136 : i32
    %add3A_807 = vector.broadcast %add3A_806 : i32 to vector<16x128xi32>
    %add3A_808 = arith.addi %add3A_15, %add3A_807 : vector<16x128xi32>
    %select_n3A_809 = arith.select %gt3A_804, %add3A_808, %select_n3A_800 : vector<16x128xi1>, vector<16x128xi32>
    %get3A_810 = arith.constant 0 : index
    %get3A_811 = arith.constant 11264 : index
    %get3A_812 = vector.load %arg2[%get3A_810, %get3A_811] : memref<16x16384xf32, #tpu.memory_space<vmem>>, vector<16x128xf32>
    %gt3A_813 = arith.cmpf ogt, %get3A_812, %max3A_805 : vector<16x128xf32>
    %max3A_814 = arith.maximumf %max3A_805, %get3A_812 : vector<16x128xf32>
    %add3A_815 = arith.constant 11264 : i32
    %add3A_816 = vector.broadcast %add3A_815 : i32 to vector<16x128xi32>
    %add3A_817 = arith.addi %add3A_15, %add3A_816 : vector<16x128xi32>
    %select_n3A_818 = arith.select %gt3A_813, %add3A_817, %select_n3A_809 : vector<16x128xi1>, vector<16x128xi32>
    %get3A_819 = arith.constant 0 : index
    %get3A_820 = arith.constant 11392 : index
    %get3A_821 = vector.load %arg2[%get3A_819, %get3A_820] : memref<16x16384xf32, #tpu.memory_space<vmem>>, vector<16x128xf32>
    %gt3A_822 = arith.cmpf ogt, %get3A_821, %max3A_814 : vector<16x128xf32>
    %max3A_823 = arith.maximumf %max3A_814, %get3A_821 : vector<16x128xf32>
    %add3A_824 = arith.constant 11392 : i32
    %add3A_825 = vector.broadcast %add3A_824 : i32 to vector<16x128xi32>
    %add3A_826 = arith.addi %add3A_15, %add3A_825 : vector<16x128xi32>
    %select_n3A_827 = arith.select %gt3A_822, %add3A_826, %select_n3A_818 : vector<16x128xi1>, vector<16x128xi32>
    %get3A_828 = arith.constant 0 : index
    %get3A_829 = arith.constant 11520 : index
    %get3A_830 = vector.load %arg2[%get3A_828, %get3A_829] : memref<16x16384xf32, #tpu.memory_space<vmem>>, vector<16x128xf32>
    %gt3A_831 = arith.cmpf ogt, %get3A_830, %max3A_823 : vector<16x128xf32>
    %max3A_832 = arith.maximumf %max3A_823, %get3A_830 : vector<16x128xf32>
    %add3A_833 = arith.constant 11520 : i32
    %add3A_834 = vector.broadcast %add3A_833 : i32 to vector<16x128xi32>
    %add3A_835 = arith.addi %add3A_15, %add3A_834 : vector<16x128xi32>
    %select_n3A_836 = arith.select %gt3A_831, %add3A_835, %select_n3A_827 : vector<16x128xi1>, vector<16x128xi32>
    %get3A_837 = arith.constant 0 : index
    %get3A_838 = arith.constant 11648 : index
    %get3A_839 = vector.load %arg2[%get3A_837, %get3A_838] : memref<16x16384xf32, #tpu.memory_space<vmem>>, vector<16x128xf32>
    %gt3A_840 = arith.cmpf ogt, %get3A_839, %max3A_832 : vector<16x128xf32>
    %max3A_841 = arith.maximumf %max3A_832, %get3A_839 : vector<16x128xf32>
    %add3A_842 = arith.constant 11648 : i32
    %add3A_843 = vector.broadcast %add3A_842 : i32 to vector<16x128xi32>
    %add3A_844 = arith.addi %add3A_15, %add3A_843 : vector<16x128xi32>
    %select_n3A_845 = arith.select %gt3A_840, %add3A_844, %select_n3A_836 : vector<16x128xi1>, vector<16x128xi32>
    %get3A_846 = arith.constant 0 : index
    %get3A_847 = arith.constant 11776 : index
    %get3A_848 = vector.load %arg2[%get3A_846, %get3A_847] : memref<16x16384xf32, #tpu.memory_space<vmem>>, vector<16x128xf32>
    %gt3A_849 = arith.cmpf ogt, %get3A_848, %max3A_841 : vector<16x128xf32>
    %max3A_850 = arith.maximumf %max3A_841, %get3A_848 : vector<16x128xf32>
    %add3A_851 = arith.constant 11776 : i32
    %add3A_852 = vector.broadcast %add3A_851 : i32 to vector<16x128xi32>
    %add3A_853 = arith.addi %add3A_15, %add3A_852 : vector<16x128xi32>
    %select_n3A_854 = arith.select %gt3A_849, %add3A_853, %select_n3A_845 : vector<16x128xi1>, vector<16x128xi32>
    %get3A_855 = arith.constant 0 : index
    %get3A_856 = arith.constant 11904 : index
    %get3A_857 = vector.load %arg2[%get3A_855, %get3A_856] : memref<16x16384xf32, #tpu.memory_space<vmem>>, vector<16x128xf32>
    %gt3A_858 = arith.cmpf ogt, %get3A_857, %max3A_850 : vector<16x128xf32>
    %max3A_859 = arith.maximumf %max3A_850, %get3A_857 : vector<16x128xf32>
    %add3A_860 = arith.constant 11904 : i32
    %add3A_861 = vector.broadcast %add3A_860 : i32 to vector<16x128xi32>
    %add3A_862 = arith.addi %add3A_15, %add3A_861 : vector<16x128xi32>
    %select_n3A_863 = arith.select %gt3A_858, %add3A_862, %select_n3A_854 : vector<16x128xi1>, vector<16x128xi32>
    %get3A_864 = arith.constant 0 : index
    %get3A_865 = arith.constant 12032 : index
    %get3A_866 = vector.load %arg2[%get3A_864, %get3A_865] : memref<16x16384xf32, #tpu.memory_space<vmem>>, vector<16x128xf32>
    %gt3A_867 = arith.cmpf ogt, %get3A_866, %max3A_859 : vector<16x128xf32>
    %max3A_868 = arith.maximumf %max3A_859, %get3A_866 : vector<16x128xf32>
    %add3A_869 = arith.constant 12032 : i32
    %add3A_870 = vector.broadcast %add3A_869 : i32 to vector<16x128xi32>
    %add3A_871 = arith.addi %add3A_15, %add3A_870 : vector<16x128xi32>
    %select_n3A_872 = arith.select %gt3A_867, %add3A_871, %select_n3A_863 : vector<16x128xi1>, vector<16x128xi32>
    %get3A_873 = arith.constant 0 : index
    %get3A_874 = arith.constant 12160 : index
    %get3A_875 = vector.load %arg2[%get3A_873, %get3A_874] : memref<16x16384xf32, #tpu.memory_space<vmem>>, vector<16x128xf32>
    %gt3A_876 = arith.cmpf ogt, %get3A_875, %max3A_868 : vector<16x128xf32>
    %max3A_877 = arith.maximumf %max3A_868, %get3A_875 : vector<16x128xf32>
    %add3A_878 = arith.constant 12160 : i32
    %add3A_879 = vector.broadcast %add3A_878 : i32 to vector<16x128xi32>
    %add3A_880 = arith.addi %add3A_15, %add3A_879 : vector<16x128xi32>
    %select_n3A_881 = arith.select %gt3A_876, %add3A_880, %select_n3A_872 : vector<16x128xi1>, vector<16x128xi32>
    %get3A_882 = arith.constant 0 : index
    %get3A_883 = arith.constant 12288 : index
    %get3A_884 = vector.load %arg2[%get3A_882, %get3A_883] : memref<16x16384xf32, #tpu.memory_space<vmem>>, vector<16x128xf32>
    %gt3A_885 = arith.cmpf ogt, %get3A_884, %max3A_877 : vector<16x128xf32>
    %max3A_886 = arith.maximumf %max3A_877, %get3A_884 : vector<16x128xf32>
    %add3A_887 = arith.constant 12288 : i32
    %add3A_888 = vector.broadcast %add3A_887 : i32 to vector<16x128xi32>
    %add3A_889 = arith.addi %add3A_15, %add3A_888 : vector<16x128xi32>
    %select_n3A_890 = arith.select %gt3A_885, %add3A_889, %select_n3A_881 : vector<16x128xi1>, vector<16x128xi32>
    %get3A_891 = arith.constant 0 : index
    %get3A_892 = arith.constant 12416 : index
    %get3A_893 = vector.load %arg2[%get3A_891, %get3A_892] : memref<16x16384xf32, #tpu.memory_space<vmem>>, vector<16x128xf32>
    %gt3A_894 = arith.cmpf ogt, %get3A_893, %max3A_886 : vector<16x128xf32>
    %max3A_895 = arith.maximumf %max3A_886, %get3A_893 : vector<16x128xf32>
    %add3A_896 = arith.constant 12416 : i32
    %add3A_897 = vector.broadcast %add3A_896 : i32 to vector<16x128xi32>
    %add3A_898 = arith.addi %add3A_15, %add3A_897 : vector<16x128xi32>
    %select_n3A_899 = arith.select %gt3A_894, %add3A_898, %select_n3A_890 : vector<16x128xi1>, vector<16x128xi32>
    %get3A_900 = arith.constant 0 : index
    %get3A_901 = arith.constant 12544 : index
    %get3A_902 = vector.load %arg2[%get3A_900, %get3A_901] : memref<16x16384xf32, #tpu.memory_space<vmem>>, vector<16x128xf32>
    %gt3A_903 = arith.cmpf ogt, %get3A_902, %max3A_895 : vector<16x128xf32>
    %max3A_904 = arith.maximumf %max3A_895, %get3A_902 : vector<16x128xf32>
    %add3A_905 = arith.constant 12544 : i32
    %add3A_906 = vector.broadcast %add3A_905 : i32 to vector<16x128xi32>
    %add3A_907 = arith.addi %add3A_15, %add3A_906 : vector<16x128xi32>
    %select_n3A_908 = arith.select %gt3A_903, %add3A_907, %select_n3A_899 : vector<16x128xi1>, vector<16x128xi32>
    %get3A_909 = arith.constant 0 : index
    %get3A_910 = arith.constant 12672 : index
    %get3A_911 = vector.load %arg2[%get3A_909, %get3A_910] : memref<16x16384xf32, #tpu.memory_space<vmem>>, vector<16x128xf32>
    %gt3A_912 = arith.cmpf ogt, %get3A_911, %max3A_904 : vector<16x128xf32>
    %max3A_913 = arith.maximumf %max3A_904, %get3A_911 : vector<16x128xf32>
    %add3A_914 = arith.constant 12672 : i32
    %add3A_915 = vector.broadcast %add3A_914 : i32 to vector<16x128xi32>
    %add3A_916 = arith.addi %add3A_15, %add3A_915 : vector<16x128xi32>
    %select_n3A_917 = arith.select %gt3A_912, %add3A_916, %select_n3A_908 : vector<16x128xi1>, vector<16x128xi32>
    %get3A_918 = arith.constant 0 : index
    %get3A_919 = arith.constant 12800 : index
    %get3A_920 = vector.load %arg2[%get3A_918, %get3A_919] : memref<16x16384xf32, #tpu.memory_space<vmem>>, vector<16x128xf32>
    %gt3A_921 = arith.cmpf ogt, %get3A_920, %max3A_913 : vector<16x128xf32>
    %max3A_922 = arith.maximumf %max3A_913, %get3A_920 : vector<16x128xf32>
    %add3A_923 = arith.constant 12800 : i32
    %add3A_924 = vector.broadcast %add3A_923 : i32 to vector<16x128xi32>
    %add3A_925 = arith.addi %add3A_15, %add3A_924 : vector<16x128xi32>
    %select_n3A_926 = arith.select %gt3A_921, %add3A_925, %select_n3A_917 : vector<16x128xi1>, vector<16x128xi32>
    %get3A_927 = arith.constant 0 : index
    %get3A_928 = arith.constant 12928 : index
    %get3A_929 = vector.load %arg2[%get3A_927, %get3A_928] : memref<16x16384xf32, #tpu.memory_space<vmem>>, vector<16x128xf32>
    %gt3A_930 = arith.cmpf ogt, %get3A_929, %max3A_922 : vector<16x128xf32>
    %max3A_931 = arith.maximumf %max3A_922, %get3A_929 : vector<16x128xf32>
    %add3A_932 = arith.constant 12928 : i32
    %add3A_933 = vector.broadcast %add3A_932 : i32 to vector<16x128xi32>
    %add3A_934 = arith.addi %add3A_15, %add3A_933 : vector<16x128xi32>
    %select_n3A_935 = arith.select %gt3A_930, %add3A_934, %select_n3A_926 : vector<16x128xi1>, vector<16x128xi32>
    %get3A_936 = arith.constant 0 : index
    %get3A_937 = arith.constant 13056 : index
    %get3A_938 = vector.load %arg2[%get3A_936, %get3A_937] : memref<16x16384xf32, #tpu.memory_space<vmem>>, vector<16x128xf32>
    %gt3A_939 = arith.cmpf ogt, %get3A_938, %max3A_931 : vector<16x128xf32>
    %max3A_940 = arith.maximumf %max3A_931, %get3A_938 : vector<16x128xf32>
    %add3A_941 = arith.constant 13056 : i32
    %add3A_942 = vector.broadcast %add3A_941 : i32 to vector<16x128xi32>
    %add3A_943 = arith.addi %add3A_15, %add3A_942 : vector<16x128xi32>
    %select_n3A_944 = arith.select %gt3A_939, %add3A_943, %select_n3A_935 : vector<16x128xi1>, vector<16x128xi32>
    %get3A_945 = arith.constant 0 : index
    %get3A_946 = arith.constant 13184 : index
    %get3A_947 = vector.load %arg2[%get3A_945, %get3A_946] : memref<16x16384xf32, #tpu.memory_space<vmem>>, vector<16x128xf32>
    %gt3A_948 = arith.cmpf ogt, %get3A_947, %max3A_940 : vector<16x128xf32>
    %max3A_949 = arith.maximumf %max3A_940, %get3A_947 : vector<16x128xf32>
    %add3A_950 = arith.constant 13184 : i32
    %add3A_951 = vector.broadcast %add3A_950 : i32 to vector<16x128xi32>
    %add3A_952 = arith.addi %add3A_15, %add3A_951 : vector<16x128xi32>
    %select_n3A_953 = arith.select %gt3A_948, %add3A_952, %select_n3A_944 : vector<16x128xi1>, vector<16x128xi32>
    %get3A_954 = arith.constant 0 : index
    %get3A_955 = arith.constant 13312 : index
    %get3A_956 = vector.load %arg2[%get3A_954, %get3A_955] : memref<16x16384xf32, #tpu.memory_space<vmem>>, vector<16x128xf32>
    %gt3A_957 = arith.cmpf ogt, %get3A_956, %max3A_949 : vector<16x128xf32>
    %max3A_958 = arith.maximumf %max3A_949, %get3A_956 : vector<16x128xf32>
    %add3A_959 = arith.constant 13312 : i32
    %add3A_960 = vector.broadcast %add3A_959 : i32 to vector<16x128xi32>
    %add3A_961 = arith.addi %add3A_15, %add3A_960 : vector<16x128xi32>
    %select_n3A_962 = arith.select %gt3A_957, %add3A_961, %select_n3A_953 : vector<16x128xi1>, vector<16x128xi32>
    %get3A_963 = arith.constant 0 : index
    %get3A_964 = arith.constant 13440 : index
    %get3A_965 = vector.load %arg2[%get3A_963, %get3A_964] : memref<16x16384xf32, #tpu.memory_space<vmem>>, vector<16x128xf32>
    %gt3A_966 = arith.cmpf ogt, %get3A_965, %max3A_958 : vector<16x128xf32>
    %max3A_967 = arith.maximumf %max3A_958, %get3A_965 : vector<16x128xf32>
    %add3A_968 = arith.constant 13440 : i32
    %add3A_969 = vector.broadcast %add3A_968 : i32 to vector<16x128xi32>
    %add3A_970 = arith.addi %add3A_15, %add3A_969 : vector<16x128xi32>
    %select_n3A_971 = arith.select %gt3A_966, %add3A_970, %select_n3A_962 : vector<16x128xi1>, vector<16x128xi32>
    %get3A_972 = arith.constant 0 : index
    %get3A_973 = arith.constant 13568 : index
    %get3A_974 = vector.load %arg2[%get3A_972, %get3A_973] : memref<16x16384xf32, #tpu.memory_space<vmem>>, vector<16x128xf32>
    %gt3A_975 = arith.cmpf ogt, %get3A_974, %max3A_967 : vector<16x128xf32>
    %max3A_976 = arith.maximumf %max3A_967, %get3A_974 : vector<16x128xf32>
    %add3A_977 = arith.constant 13568 : i32
    %add3A_978 = vector.broadcast %add3A_977 : i32 to vector<16x128xi32>
    %add3A_979 = arith.addi %add3A_15, %add3A_978 : vector<16x128xi32>
    %select_n3A_980 = arith.select %gt3A_975, %add3A_979, %select_n3A_971 : vector<16x128xi1>, vector<16x128xi32>
    %get3A_981 = arith.constant 0 : index
    %get3A_982 = arith.constant 13696 : index
    %get3A_983 = vector.load %arg2[%get3A_981, %get3A_982] : memref<16x16384xf32, #tpu.memory_space<vmem>>, vector<16x128xf32>
    %gt3A_984 = arith.cmpf ogt, %get3A_983, %max3A_976 : vector<16x128xf32>
    %max3A_985 = arith.maximumf %max3A_976, %get3A_983 : vector<16x128xf32>
    %add3A_986 = arith.constant 13696 : i32
    %add3A_987 = vector.broadcast %add3A_986 : i32 to vector<16x128xi32>
    %add3A_988 = arith.addi %add3A_15, %add3A_987 : vector<16x128xi32>
    %select_n3A_989 = arith.select %gt3A_984, %add3A_988, %select_n3A_980 : vector<16x128xi1>, vector<16x128xi32>
    %get3A_990 = arith.constant 0 : index
    %get3A_991 = arith.constant 13824 : index
    %get3A_992 = vector.load %arg2[%get3A_990, %get3A_991] : memref<16x16384xf32, #tpu.memory_space<vmem>>, vector<16x128xf32>
    %gt3A_993 = arith.cmpf ogt, %get3A_992, %max3A_985 : vector<16x128xf32>
    %max3A_994 = arith.maximumf %max3A_985, %get3A_992 : vector<16x128xf32>
    %add3A_995 = arith.constant 13824 : i32
    %add3A_996 = vector.broadcast %add3A_995 : i32 to vector<16x128xi32>
    %add3A_997 = arith.addi %add3A_15, %add3A_996 : vector<16x128xi32>
    %select_n3A_998 = arith.select %gt3A_993, %add3A_997, %select_n3A_989 : vector<16x128xi1>, vector<16x128xi32>
    %get3A_999 = arith.constant 0 : index
    %get3A_1000 = arith.constant 13952 : index
    %get3A_1001 = vector.load %arg2[%get3A_999, %get3A_1000] : memref<16x16384xf32, #tpu.memory_space<vmem>>, vector<16x128xf32>
    %gt3A_1002 = arith.cmpf ogt, %get3A_1001, %max3A_994 : vector<16x128xf32>
    %max3A_1003 = arith.maximumf %max3A_994, %get3A_1001 : vector<16x128xf32>
    %add3A_1004 = arith.constant 13952 : i32
    %add3A_1005 = vector.broadcast %add3A_1004 : i32 to vector<16x128xi32>
    %add3A_1006 = arith.addi %add3A_15, %add3A_1005 : vector<16x128xi32>
    %select_n3A_1007 = arith.select %gt3A_1002, %add3A_1006, %select_n3A_998 : vector<16x128xi1>, vector<16x128xi32>
    %get3A_1008 = arith.constant 0 : index
    %get3A_1009 = arith.constant 14080 : index
    %get3A_1010 = vector.load %arg2[%get3A_1008, %get3A_1009] : memref<16x16384xf32, #tpu.memory_space<vmem>>, vector<16x128xf32>
    %gt3A_1011 = arith.cmpf ogt, %get3A_1010, %max3A_1003 : vector<16x128xf32>
    %max3A_1012 = arith.maximumf %max3A_1003, %get3A_1010 : vector<16x128xf32>
    %add3A_1013 = arith.constant 14080 : i32
    %add3A_1014 = vector.broadcast %add3A_1013 : i32 to vector<16x128xi32>
    %add3A_1015 = arith.addi %add3A_15, %add3A_1014 : vector<16x128xi32>
    %select_n3A_1016 = arith.select %gt3A_1011, %add3A_1015, %select_n3A_1007 : vector<16x128xi1>, vector<16x128xi32>
    %get3A_1017 = arith.constant 0 : index
    %get3A_1018 = arith.constant 14208 : index
    %get3A_1019 = vector.load %arg2[%get3A_1017, %get3A_1018] : memref<16x16384xf32, #tpu.memory_space<vmem>>, vector<16x128xf32>
    %gt3A_1020 = arith.cmpf ogt, %get3A_1019, %max3A_1012 : vector<16x128xf32>
    %max3A_1021 = arith.maximumf %max3A_1012, %get3A_1019 : vector<16x128xf32>
    %add3A_1022 = arith.constant 14208 : i32
    %add3A_1023 = vector.broadcast %add3A_1022 : i32 to vector<16x128xi32>
    %add3A_1024 = arith.addi %add3A_15, %add3A_1023 : vector<16x128xi32>
    %select_n3A_1025 = arith.select %gt3A_1020, %add3A_1024, %select_n3A_1016 : vector<16x128xi1>, vector<16x128xi32>
    %get3A_1026 = arith.constant 0 : index
    %get3A_1027 = arith.constant 14336 : index
    %get3A_1028 = vector.load %arg2[%get3A_1026, %get3A_1027] : memref<16x16384xf32, #tpu.memory_space<vmem>>, vector<16x128xf32>
    %gt3A_1029 = arith.cmpf ogt, %get3A_1028, %max3A_1021 : vector<16x128xf32>
    %max3A_1030 = arith.maximumf %max3A_1021, %get3A_1028 : vector<16x128xf32>
    %add3A_1031 = arith.constant 14336 : i32
    %add3A_1032 = vector.broadcast %add3A_1031 : i32 to vector<16x128xi32>
    %add3A_1033 = arith.addi %add3A_15, %add3A_1032 : vector<16x128xi32>
    %select_n3A_1034 = arith.select %gt3A_1029, %add3A_1033, %select_n3A_1025 : vector<16x128xi1>, vector<16x128xi32>
    %get3A_1035 = arith.constant 0 : index
    %get3A_1036 = arith.constant 14464 : index
    %get3A_1037 = vector.load %arg2[%get3A_1035, %get3A_1036] : memref<16x16384xf32, #tpu.memory_space<vmem>>, vector<16x128xf32>
    %gt3A_1038 = arith.cmpf ogt, %get3A_1037, %max3A_1030 : vector<16x128xf32>
    %max3A_1039 = arith.maximumf %max3A_1030, %get3A_1037 : vector<16x128xf32>
    %add3A_1040 = arith.constant 14464 : i32
    %add3A_1041 = vector.broadcast %add3A_1040 : i32 to vector<16x128xi32>
    %add3A_1042 = arith.addi %add3A_15, %add3A_1041 : vector<16x128xi32>
    %select_n3A_1043 = arith.select %gt3A_1038, %add3A_1042, %select_n3A_1034 : vector<16x128xi1>, vector<16x128xi32>
    %get3A_1044 = arith.constant 0 : index
    %get3A_1045 = arith.constant 14592 : index
    %get3A_1046 = vector.load %arg2[%get3A_1044, %get3A_1045] : memref<16x16384xf32, #tpu.memory_space<vmem>>, vector<16x128xf32>
    %gt3A_1047 = arith.cmpf ogt, %get3A_1046, %max3A_1039 : vector<16x128xf32>
    %max3A_1048 = arith.maximumf %max3A_1039, %get3A_1046 : vector<16x128xf32>
    %add3A_1049 = arith.constant 14592 : i32
    %add3A_1050 = vector.broadcast %add3A_1049 : i32 to vector<16x128xi32>
    %add3A_1051 = arith.addi %add3A_15, %add3A_1050 : vector<16x128xi32>
    %select_n3A_1052 = arith.select %gt3A_1047, %add3A_1051, %select_n3A_1043 : vector<16x128xi1>, vector<16x128xi32>
    %get3A_1053 = arith.constant 0 : index
    %get3A_1054 = arith.constant 14720 : index
    %get3A_1055 = vector.load %arg2[%get3A_1053, %get3A_1054] : memref<16x16384xf32, #tpu.memory_space<vmem>>, vector<16x128xf32>
    %gt3A_1056 = arith.cmpf ogt, %get3A_1055, %max3A_1048 : vector<16x128xf32>
    %max3A_1057 = arith.maximumf %max3A_1048, %get3A_1055 : vector<16x128xf32>
    %add3A_1058 = arith.constant 14720 : i32
    %add3A_1059 = vector.broadcast %add3A_1058 : i32 to vector<16x128xi32>
    %add3A_1060 = arith.addi %add3A_15, %add3A_1059 : vector<16x128xi32>
    %select_n3A_1061 = arith.select %gt3A_1056, %add3A_1060, %select_n3A_1052 : vector<16x128xi1>, vector<16x128xi32>
    %get3A_1062 = arith.constant 0 : index
    %get3A_1063 = arith.constant 14848 : index
    %get3A_1064 = vector.load %arg2[%get3A_1062, %get3A_1063] : memref<16x16384xf32, #tpu.memory_space<vmem>>, vector<16x128xf32>
    %gt3A_1065 = arith.cmpf ogt, %get3A_1064, %max3A_1057 : vector<16x128xf32>
    %max3A_1066 = arith.maximumf %max3A_1057, %get3A_1064 : vector<16x128xf32>
    %add3A_1067 = arith.constant 14848 : i32
    %add3A_1068 = vector.broadcast %add3A_1067 : i32 to vector<16x128xi32>
    %add3A_1069 = arith.addi %add3A_15, %add3A_1068 : vector<16x128xi32>
    %select_n3A_1070 = arith.select %gt3A_1065, %add3A_1069, %select_n3A_1061 : vector<16x128xi1>, vector<16x128xi32>
    %get3A_1071 = arith.constant 0 : index
    %get3A_1072 = arith.constant 14976 : index
    %get3A_1073 = vector.load %arg2[%get3A_1071, %get3A_1072] : memref<16x16384xf32, #tpu.memory_space<vmem>>, vector<16x128xf32>
    %gt3A_1074 = arith.cmpf ogt, %get3A_1073, %max3A_1066 : vector<16x128xf32>
    %max3A_1075 = arith.maximumf %max3A_1066, %get3A_1073 : vector<16x128xf32>
    %add3A_1076 = arith.constant 14976 : i32
    %add3A_1077 = vector.broadcast %add3A_1076 : i32 to vector<16x128xi32>
    %add3A_1078 = arith.addi %add3A_15, %add3A_1077 : vector<16x128xi32>
    %select_n3A_1079 = arith.select %gt3A_1074, %add3A_1078, %select_n3A_1070 : vector<16x128xi1>, vector<16x128xi32>
    %get3A_1080 = arith.constant 0 : index
    %get3A_1081 = arith.constant 15104 : index
    %get3A_1082 = vector.load %arg2[%get3A_1080, %get3A_1081] : memref<16x16384xf32, #tpu.memory_space<vmem>>, vector<16x128xf32>
    %gt3A_1083 = arith.cmpf ogt, %get3A_1082, %max3A_1075 : vector<16x128xf32>
    %max3A_1084 = arith.maximumf %max3A_1075, %get3A_1082 : vector<16x128xf32>
    %add3A_1085 = arith.constant 15104 : i32
    %add3A_1086 = vector.broadcast %add3A_1085 : i32 to vector<16x128xi32>
    %add3A_1087 = arith.addi %add3A_15, %add3A_1086 : vector<16x128xi32>
    %select_n3A_1088 = arith.select %gt3A_1083, %add3A_1087, %select_n3A_1079 : vector<16x128xi1>, vector<16x128xi32>
    %get3A_1089 = arith.constant 0 : index
    %get3A_1090 = arith.constant 15232 : index
    %get3A_1091 = vector.load %arg2[%get3A_1089, %get3A_1090] : memref<16x16384xf32, #tpu.memory_space<vmem>>, vector<16x128xf32>
    %gt3A_1092 = arith.cmpf ogt, %get3A_1091, %max3A_1084 : vector<16x128xf32>
    %max3A_1093 = arith.maximumf %max3A_1084, %get3A_1091 : vector<16x128xf32>
    %add3A_1094 = arith.constant 15232 : i32
    %add3A_1095 = vector.broadcast %add3A_1094 : i32 to vector<16x128xi32>
    %add3A_1096 = arith.addi %add3A_15, %add3A_1095 : vector<16x128xi32>
    %select_n3A_1097 = arith.select %gt3A_1092, %add3A_1096, %select_n3A_1088 : vector<16x128xi1>, vector<16x128xi32>
    %get3A_1098 = arith.constant 0 : index
    %get3A_1099 = arith.constant 15360 : index
    %get3A_1100 = vector.load %arg2[%get3A_1098, %get3A_1099] : memref<16x16384xf32, #tpu.memory_space<vmem>>, vector<16x128xf32>
    %gt3A_1101 = arith.cmpf ogt, %get3A_1100, %max3A_1093 : vector<16x128xf32>
    %max3A_1102 = arith.maximumf %max3A_1093, %get3A_1100 : vector<16x128xf32>
    %add3A_1103 = arith.constant 15360 : i32
    %add3A_1104 = vector.broadcast %add3A_1103 : i32 to vector<16x128xi32>
    %add3A_1105 = arith.addi %add3A_15, %add3A_1104 : vector<16x128xi32>
    %select_n3A_1106 = arith.select %gt3A_1101, %add3A_1105, %select_n3A_1097 : vector<16x128xi1>, vector<16x128xi32>
    %get3A_1107 = arith.constant 0 : index
    %get3A_1108 = arith.constant 15488 : index
    %get3A_1109 = vector.load %arg2[%get3A_1107, %get3A_1108] : memref<16x16384xf32, #tpu.memory_space<vmem>>, vector<16x128xf32>
    %gt3A_1110 = arith.cmpf ogt, %get3A_1109, %max3A_1102 : vector<16x128xf32>
    %max3A_1111 = arith.maximumf %max3A_1102, %get3A_1109 : vector<16x128xf32>
    %add3A_1112 = arith.constant 15488 : i32
    %add3A_1113 = vector.broadcast %add3A_1112 : i32 to vector<16x128xi32>
    %add3A_1114 = arith.addi %add3A_15, %add3A_1113 : vector<16x128xi32>
    %select_n3A_1115 = arith.select %gt3A_1110, %add3A_1114, %select_n3A_1106 : vector<16x128xi1>, vector<16x128xi32>
    %get3A_1116 = arith.constant 0 : index
    %get3A_1117 = arith.constant 15616 : index
    %get3A_1118 = vector.load %arg2[%get3A_1116, %get3A_1117] : memref<16x16384xf32, #tpu.memory_space<vmem>>, vector<16x128xf32>
    %gt3A_1119 = arith.cmpf ogt, %get3A_1118, %max3A_1111 : vector<16x128xf32>
    %max3A_1120 = arith.maximumf %max3A_1111, %get3A_1118 : vector<16x128xf32>
    %add3A_1121 = arith.constant 15616 : i32
    %add3A_1122 = vector.broadcast %add3A_1121 : i32 to vector<16x128xi32>
    %add3A_1123 = arith.addi %add3A_15, %add3A_1122 : vector<16x128xi32>
    %select_n3A_1124 = arith.select %gt3A_1119, %add3A_1123, %select_n3A_1115 : vector<16x128xi1>, vector<16x128xi32>
    %get3A_1125 = arith.constant 0 : index
    %get3A_1126 = arith.constant 15744 : index
    %get3A_1127 = vector.load %arg2[%get3A_1125, %get3A_1126] : memref<16x16384xf32, #tpu.memory_space<vmem>>, vector<16x128xf32>
    %gt3A_1128 = arith.cmpf ogt, %get3A_1127, %max3A_1120 : vector<16x128xf32>
    %max3A_1129 = arith.maximumf %max3A_1120, %get3A_1127 : vector<16x128xf32>
    %add3A_1130 = arith.constant 15744 : i32
    %add3A_1131 = vector.broadcast %add3A_1130 : i32 to vector<16x128xi32>
    %add3A_1132 = arith.addi %add3A_15, %add3A_1131 : vector<16x128xi32>
    %select_n3A_1133 = arith.select %gt3A_1128, %add3A_1132, %select_n3A_1124 : vector<16x128xi1>, vector<16x128xi32>
    %get3A_1134 = arith.constant 0 : index
    %get3A_1135 = arith.constant 15872 : index
    %get3A_1136 = vector.load %arg2[%get3A_1134, %get3A_1135] : memref<16x16384xf32, #tpu.memory_space<vmem>>, vector<16x128xf32>
    %gt3A_1137 = arith.cmpf ogt, %get3A_1136, %max3A_1129 : vector<16x128xf32>
    %max3A_1138 = arith.maximumf %max3A_1129, %get3A_1136 : vector<16x128xf32>
    %add3A_1139 = arith.constant 15872 : i32
    %add3A_1140 = vector.broadcast %add3A_1139 : i32 to vector<16x128xi32>
    %add3A_1141 = arith.addi %add3A_15, %add3A_1140 : vector<16x128xi32>
    %select_n3A_1142 = arith.select %gt3A_1137, %add3A_1141, %select_n3A_1133 : vector<16x128xi1>, vector<16x128xi32>
    %get3A_1143 = arith.constant 0 : index
    %get3A_1144 = arith.constant 16000 : index
    %get3A_1145 = vector.load %arg2[%get3A_1143, %get3A_1144] : memref<16x16384xf32, #tpu.memory_space<vmem>>, vector<16x128xf32>
    %gt3A_1146 = arith.cmpf ogt, %get3A_1145, %max3A_1138 : vector<16x128xf32>
    %max3A_1147 = arith.maximumf %max3A_1138, %get3A_1145 : vector<16x128xf32>
    %add3A_1148 = arith.constant 16000 : i32
    %add3A_1149 = vector.broadcast %add3A_1148 : i32 to vector<16x128xi32>
    %add3A_1150 = arith.addi %add3A_15, %add3A_1149 : vector<16x128xi32>
    %select_n3A_1151 = arith.select %gt3A_1146, %add3A_1150, %select_n3A_1142 : vector<16x128xi1>, vector<16x128xi32>
    %get3A_1152 = arith.constant 0 : index
    %get3A_1153 = arith.constant 16128 : index
    %get3A_1154 = vector.load %arg2[%get3A_1152, %get3A_1153] : memref<16x16384xf32, #tpu.memory_space<vmem>>, vector<16x128xf32>
    %gt3A_1155 = arith.cmpf ogt, %get3A_1154, %max3A_1147 : vector<16x128xf32>
    %max3A_1156 = arith.maximumf %max3A_1147, %get3A_1154 : vector<16x128xf32>
    %add3A_1157 = arith.constant 16128 : i32
    %add3A_1158 = vector.broadcast %add3A_1157 : i32 to vector<16x128xi32>
    %add3A_1159 = arith.addi %add3A_15, %add3A_1158 : vector<16x128xi32>
    %select_n3A_1160 = arith.select %gt3A_1155, %add3A_1159, %select_n3A_1151 : vector<16x128xi1>, vector<16x128xi32>
    %get3A_1161 = arith.constant 0 : index
    %get3A_1162 = arith.constant 16256 : index
    %get3A_1163 = vector.load %arg2[%get3A_1161, %get3A_1162] : memref<16x16384xf32, #tpu.memory_space<vmem>>, vector<16x128xf32>
    %gt3A_1164 = arith.cmpf ogt, %get3A_1163, %max3A_1156 : vector<16x128xf32>
    %max3A_1165 = arith.maximumf %max3A_1156, %get3A_1163 : vector<16x128xf32>
    %add3A_1166 = arith.constant 16256 : i32
    %add3A_1167 = vector.broadcast %add3A_1166 : i32 to vector<16x128xi32>
    %add3A_1168 = arith.addi %add3A_15, %add3A_1167 : vector<16x128xi32>
    %select_n3A_1169 = arith.select %gt3A_1164, %add3A_1168, %select_n3A_1160 : vector<16x128xi1>, vector<16x128xi32>
    %swap3A = arith.constant 0 : index
    %swap3A_1170 = arith.constant 0 : index
    %swap3A_1171 = vector.load %arg5[%swap3A, %swap3A_1170] : memref<16x128xf32, #tpu.memory_space<vmem>>, vector<16x128xf32>
    tpu.vector_store %arg5[%swap3A, %swap3A_1170], %max3A_1165 {strides = array<i32>} : memref<16x128xf32, #tpu.memory_space<vmem>>, vector<16x128xf32>,
    %swap3A_1172 = arith.constant 0 : index
    %swap3A_1173 = arith.constant 0 : index
    %swap3A_1174 = vector.load %arg6[%swap3A_1172, %swap3A_1173] : memref<16x128xi32, #tpu.memory_space<vmem>>, vector<16x128xi32>
    tpu.vector_store %arg6[%swap3A_1172, %swap3A_1173], %select_n3A_1169 {strides = array<i32>} : memref<16x128xi32, #tpu.memory_space<vmem>>, vector<16x128xi32>,
    %eq3A_1175 = arith.constant 4 : i32
    %eq3A_1176 = arith.cmpi eq, %arg0, %eq3A_1175 : i32
    %eq3A_1177 = arith.constant 1 : i32
    %eq3A_1178 = arith.cmpi eq, %arg1, %eq3A_1177 : i32
    %and3A_1179 = arith.andi %eq3A_1176, %eq3A_1178 : i1
    %convert_element_type3A_1180 = arith.extui %and3A_1179 : i1 to i32
    %cond3A_1181 = arith.constant 0 : i32
    %cond3A_1182 = arith.cmpi ne, %convert_element_type3A_1180, %cond3A_1181 : i32
    scf.if %cond3A_1182 {
      %swap3A_1183 = arith.constant 0 : index
      %swap3A_1184 = arith.constant 0 : index
      %swap3A_1185 = vector.load %arg3[%swap3A_1183, %swap3A_1184] : memref<16x128xf32, #tpu.memory_space<vmem>>, vector<16x128xf32>
      tpu.vector_store %arg3[%swap3A_1183, %swap3A_1184], %max3A_1165 {strides = array<i32>} : memref<16x128xf32, #tpu.memory_space<vmem>>, vector<16x128xf32>,
      %swap3A_1186 = arith.constant 0 : index
      %swap3A_1187 = arith.constant 0 : index
      %swap3A_1188 = vector.load %arg4[%swap3A_1186, %swap3A_1187] : memref<16x128xi32, #tpu.memory_space<vmem>>, vector<16x128xi32>
      tpu.vector_store %arg4[%swap3A_1186, %swap3A_1187], %select_n3A_1169 {strides = array<i32>} : memref<16x128xi32, #tpu.memory_space<vmem>>, vector<16x128xi32>,
    } else {
    }
    return
  }
  func.func @transform_0(%arg0: i32, %arg1: i32) -> (i32, i32) {
    %add3A = arith.constant 3 : i32
    %add3A_0 = arith.addi %arg0, %add3A : i32
    %c0_i32 = arith.constant 0 : i32
    return %add3A_0, %arg1 : i32, i32
  }
  func.func @transform_1(%arg0: i32, %arg1: i32) -> (i32, i32) {
    %c0_i32 = arith.constant 0 : i32
    %c0_i32_0 = arith.constant 0 : i32
    %c0_i32_1 = arith.constant 0 : i32
    return %c0_i32, %c0_i32_0 : i32, i32
  }
  func.func @transform_2(%arg0: i32, %arg1: i32) -> (i32, i32) {
    %c0_i32 = arith.constant 0 : i32
    %c0_i32_0 = arith.constant 0 : i32
    %c0_i32_1 = arith.constant 0 : i32
    return %c0_i32, %c0_i32_0 : i32, i32
  }
}

</mosaic_0001>

<sc_bundles>
// kernel: kernel.5.cloned.1.call-start
scs
__scs_entry_jumppad:
0x0: {  	(pc) =	sbr.rel $0x88, $3  }
0x1: {  	(tag) =	ssettag $0x0;
	lr =	simm.s32 $0x1  }
0x2: {  	[smem:$0x3FA0] =	sst lr;
	_ =	strace $0xD0000000  }
0x3: {  	_ = 	snop  }
0x4: {  	_ = 	snop  }
0x5: {  	_ = 	snop  }
0x6: {  	_ = 	snop  }
0x7: {  	_ = 	snop  }
__scs_overlays_trampoline_lowered:
0x8: {  	[smem:$0x3FAF] =	sst s0  }
0x9: {  	[smem:$0x3FB0] =	sst s1  }
0xa: {  	[smem:$0x3FB1] =	sst s2  }
0xb: {  	[smem:$0x3FB2] =	sst s3  }
0xc: {  	[smem:$0x3FB3] =	sst s4  }
0xd: {  	[smem:$0x3FB4] =	sst s5  }
0xe: {  	[smem:$0x3FB5] =	sst s6  }
0xf: {  	[smem:$0x3FB6] =	sst s7  }
0x10: {  	[smem:$0x3FB7] =	sst s8  }
0x11: {  	[smem:$0x3FB8] =	sst s9;
	s0 =	simm.s32 @!p0 $0x0  }
0x12: {  	s1 =	sld [smem:$0x3F9E];
	s0 =	simm.s32 @p0 $0x1  }
0x13: {  	[smem:$0x3FB9] =	sst s0;
	s0 =	simm.s32 @!p1 $0x0  }
0x14: {  	s2 =	sld [smem:$0x3F9D];
	s0 =	simm.s32 @p1 $0x1  }
0x15: {  	[smem:$0x3FBA] =	sst s0;
	s0 =	simm.s32 @!p2 $0x0  }
0x16: {  	s3 =	sld [smem:$0x3FDB];
	s0 =	simm.s32 @p2 $0x1  }
0x17: {  	s4 =	simm.s32 $0x1BF5;
	[smem:$0x3FBC] =	sst s0  }
0x18: {  	s0 =	sld [smem:$0x3F9F];
	_ =	swait.ge [sflag:s4], $0x0  }
0x19: {  	s7 =	sld [smem:$0x3FA0]  }
0x1a: {  	s8 =	sadd.s32 $0xFFFFE003, lr  }
0x1b: {  	s9 =	sadd.s32 $0xFFFFFEF7, lr;
	s5 =	simm.s32 $0xFFFFFFFF;
	p2 =	slt.u32 s8, $0xFFFFF086  }
0x1c: {  	p1 =	slt.u32 s9, $0xF7A;
	s5 =	simm.s32 @!p2 $0x0  }
0x1d: {  	s5 =	simm.s32 @p1 $0x1;
	p0 =	seq.s32 s7, s2  }
0x1e: {  	s7 =	smul.u32 @!p0 $0xF7A, s2;
	p2 =	seq.s32 @!p0 s5, $0x0  }
0x1f: {  	s9 =	smul.u32 $0xF7A, s1;
	s8 =	simm.s32 @!p0 $0x1BF5;
	p2 =	por !p2, p0  }
0x20: {  	[sflag:s8] =	ssyncset.s32 @!p0 $0xFFFFF086;
	s6 =	sadd.s32 @!p0 s3, s7;
	s7 =	simm.s32 @!p0 $0x108  }
0x21: {  	s3 =	sadd.s32 s3, s9;
	s6 =	sadd.s32 @!p0 $0x88, s6;
	s7 =	simm.s32 @p2 $0x1082  }
0x22: {  	[simem:s7], [sflag:s8] =	dma.local @!p0 [hbm:s6], $0xF7A  }
0x23: {  	s9 =	sor.u32 $0xD0000000, s2;
	s6 =	simm.s32 $0x108;
	_ =	swait.ge @!p0 [sflag:s8], $0x0  }
0x24: {  	s3 =	sadd.s32 $0x88, s3;
	s6 =	simm.s32 @!p1 $0x1082;
	[sflag:s4] =	ssyncset.s32 $0xFFFFF086  }
0x25: {  	[simem:s6], [sflag:s4] =	dma.local [hbm:s3], $0xF7A  }
0x26: {  	[smem:$0x3FA0] =	sst s1;
	(tag) =	ssettag s2;
	_ =	strace s9  }
0x27: {  	s1 =	sld [smem:$0x3FB0]  }
0x28: {  	s2 =	sld [smem:$0x3FB1]  }
0x29: {  	s4 =	sld [smem:$0x3FB3]  }
0x2a: {  	p0 =	seq.s32 s5, $0x0;
	s5 =	sld [smem:$0x3FB4]  }
0x2b: {  	s6 =	sld [smem:$0x3FB5]  }
0x2c: {  	s7 =	sld [smem:$0x3FB6]  }
0x2d: {  	s3 =	simm.s32 $0x108;
	s8 =	sld [smem:$0x3FB7]  }
0x2e: {  	s3 =	simm.s32 @!p0 $0x1082;
	s9 =	sld [smem:$0x3FB8]  }
0x2f: {  	lr =	sadd.s32 s0, s3;
	s0 =	sld [smem:$0x3FAF]  }
0x30: {  	s3 =	sld [smem:$0x3FB2]  }
0x31: {  	[smem:$0x3FBB] =	sst s10  }
0x32: {  	s10 =	sld [smem:$0x3FB9];
	_ =	sdelay $0x3  }
0x33: {  	p0 =	seq.s32 s10, $0x1;
	s10 =	sld [smem:$0x3FBB];
	_ =	sdelay $0x3  }
0x34: {  	[smem:$0x3FBB] =	sst s10  }
0x35: {  	s10 =	sld [smem:$0x3FBA];
	_ =	sdelay $0x3  }
0x36: {  	p1 =	seq.s32 s10, $0x1;
	s10 =	sld [smem:$0x3FBB];
	_ =	sdelay $0x3  }
0x37: {  	[smem:$0x3FBB] =	sst s10  }
0x38: {  	s10 =	sld [smem:$0x3FBC]  }
0x39: {  	_ = 	snop;
	(pc) =	sbr.ind lr, $3  }
0x3a: {  	_ = 	snop  }
0x3b: {  	_ = 	snop  }
0x3c: {  	p2 =	seq.s32 s10, $0x1;
	s10 =	sld [smem:$0x3FBB]  }
0x3d: {  	_ =	shalt  }
0x3e: {  	_ =	shalt  }
0x3f: {  	_ =	shalt  }
0x40: {  	_ =	shalt  }
0x41: {  	_ =	shalt  }
0x42: {  	_ =	shalt  }
0x43: {  	_ =	shalt  }
0x44: {  	_ =	shalt  }
0x45: {  	_ =	shalt  }
0x46: {  	_ =	shalt  }
0x47: {  	_ =	shalt  }
0x48: {  	_ =	shalt  }
0x49: {  	_ =	shalt  }
0x4a: {  	_ =	shalt  }
0x4b: {  	_ =	shalt  }
0x4c: {  	_ =	shalt  }
0x4d: {  	_ =	shalt  }
0x4e: {  	_ =	shalt  }
0x4f: {  	_ =	shalt  }
0x50: {  	_ =	shalt  }
0x51: {  	_ =	shalt  }
0x52: {  	_ =	shalt  }
0x53: {  	_ =	shalt  }
0x54: {  	_ =	shalt  }
0x55: {  	_ =	shalt  }
0x56: {  	_ =	shalt  }
0x57: {  	_ =	shalt  }
0x58: {  	_ =	shalt  }
0x59: {  	_ =	shalt  }
0x5a: {  	_ =	shalt  }
0x5b: {  	_ =	shalt  }
0x5c: {  	_ =	shalt  }
0x5d: {  	_ =	shalt  }
0x5e: {  	_ =	shalt  }
0x5f: {  	_ =	shalt  }
0x60: {  	_ =	shalt  }
0x61: {  	_ =	shalt  }
0x62: {  	_ =	shalt  }
0x63: {  	_ =	shalt  }
0x64: {  	_ =	shalt  }
0x65: {  	_ =	shalt  }
0x66: {  	_ =	shalt  }
0x67: {  	_ =	shalt  }
0x68: {  	_ =	shalt  }
0x69: {  	_ =	shalt  }
0x6a: {  	_ =	shalt  }
0x6b: {  	_ =	shalt  }
0x6c: {  	_ =	shalt  }
0x6d: {  	_ =	shalt  }
0x6e: {  	_ =	shalt  }
0x6f: {  	_ =	shalt  }
0x70: {  	_ =	shalt  }
0x71: {  	_ =	shalt  }
0x72: {  	_ =	shalt  }
0x73: {  	_ =	shalt  }
0x74: {  	_ =	shalt  }
0x75: {  	_ =	shalt  }
0x76: {  	_ =	shalt  }
0x77: {  	_ =	shalt  }
0x78: {  	_ =	shalt  }
0x79: {  	_ =	shalt  }
0x7a: {  	_ =	shalt  }
0x7b: {  	_ =	shalt  }
0x7c: {  	_ =	shalt  }
0x7d: {  	_ =	shalt  }
0x7e: {  	_ =	shalt  }
0x7f: {  	_ =	shalt  }
0x80: {  	_ =	shalt  }
0x81: {  	_ =	shalt  }
0x82: {  	_ =	shalt  }
0x83: {  	_ =	shalt  }
0x84: {  	_ =	shalt  }
0x85: {  	_ =	shalt  }
0x86: {  	_ =	shalt  }
0x87: {  	_ =	shalt  }
.Lfunc_end0:
.L_simem_size_0:
called_computation_lowered:
.L_overlay_start_0:
0x88: {  	s2 =	sld [smem:$0x3FD9]  }
0x89: {  	s3 =	sld [smem:$0x3FFE];
	_ =	sdelay $0x1  }
0x8a: {  	s1 =	srdreg.scid  }
0x8b: {  	s0 =	sand.u32 $0x1, s1  }
0x8c: {  	s17 =	sshll.u32 s0, $0xA;
	s2 =	sadd.s32 s3, s2  }
0x8d: {  	s2 =	sadd.s32 s2, s17  }
0x8e: {  	[smem:$0x3FC7] =	sst s2  }
0x8f: {  	_ = 	snop  }
0x90: {  	s2 =	sld [smem:$0x3FC9];
	(tm) =	ssettm $0x1  }
0x91: {  	s18 =	sld [smem:$0x3FFB];
	_ =	sdelay $0x3  }
0x92: {  	_ =	strace s18  }
0x93: {  	s3 =	sld [smem:$0x3FFC];
	_ =	sdelay $0x3  }
0x94: {  	_ =	strace s3  }
0x95: {  	s3 =	sld [smem:$0x3FFD];
	_ =	sdelay $0x3  }
0x96: {  	_ =	strace s3  }
0x97: {  	_ =	strace $0x8FFFFFFF  }
0x98: {  	s19 =	sld [smem:$0x3FDB];
	_ =	sdelay $0x1  }
0x99: {  	s4 =	simm.s32 $_scs_section_size  }
0x9a: {  	s5 =	simm.s32 $_size__tile_overlayer_lowered;
	s6 =	simm.s32 $_tile_overlayer_lowered  }
0x9b: {  	s22 =	simm.s32 $0x1BFF;
	s21 =	sshll.u32 s6, $0x1;
	s3 =	sadd.s32 s4, s19  }
0x9c: {  	s7 =	simm.s32 $0x0;
	s20 =	sshll.u32 s5, $0x1;
	s5 =	sadd.s32 s21, s3  }
0x9d: {  	[timem:s7], [sflag:s22] =	dma.local [hbm:s5], s20  }
0x9e: {  	_ =	swait.ge [sflag:s22], s20  }
0x9f: {  	s4 =	ssub.s32 $0x0, s20;
	[sflag:s22] =	ssyncset.done $0x0  }
0xa0: {  	[sflag:s22] =	ssyncadd.s32 s4;
	_ =	sdelay $0x1  }
0xa1: {  	s23 =	simm.s32 $0x1B8B  }
0xa2: {  	_ =	swait.ge [sflag:s23], $0x1  }
0xa3: {  	[sflag:s23] =	ssyncset.done $0x0  }
0xa4: {  	s25 =	simm.s32 $0x1B8E;
	s24 =	sld [smem:$0x3FFE];
	[sflag:s23] =	ssyncadd.s32 $0xFFFFFFFF  }
0xa5: {  	s26 =	simm.s32 $execute0_lowered;
	[smem:$0x3FD2] =	sst s25  }
0xa6: {  	s5 =	sshll.u32 s26, $0x1;
	_ =	strace $0x80000046;
	[dreg:$0x1] =	wrdreg $0xFFFFFFFF  }
0xa7: {  	s28 =	simm.s32 $_size_execute0_lowered;
	s3 =	sadd.s32 s3, s5;
	[dreg:$0x0] =	wrdreg $0x0  }
0xa8: {  	s5 =	sshll.u32 s28, $0x1;
	[dreg:$0x2] =	wrdreg s3  }
0xa9: {  	[dreg:$0x3] =	wrdreg s5  }
0xaa: {  	[dreg:$0x4] =	wrdreg $0xC0  }
0xab: {  	_ =	task [dreg:s7], $0x5FFFF  }
0xac: {  	[dreg:$0x1] =	wrdreg $0xFFFFFFFF  }
0xad: {  	[dreg:$0x0] =	wrdreg $0x60  }
0xae: {  	[dreg:$0x2] =	wrdreg s2  }
0xaf: {  	[dreg:$0x3] =	wrdreg s24  }
0xb0: {  	[dreg:$0x4] =	wrdreg $0x9  }
0xb1: {  	_ =	task.clear_ibuf [dreg:s7], $0x5FFFF;
	_ =	strace $0x90000046  }
0xb2: {  	s29 =	simm.s32 $0x9;
	_ =	strace $0x80000048  }
0xb3: {  	_ =	swait.ge [sflag:s29], $0x1  }
0xb4: {  	[sflag:s29] =	ssyncadd.s32 $0xFFFFFFFF  }
0xb5: {  	_ =	strace $0x90000048  }
0xb6: {  	_ =	sfence  }
0xb7: {  	s30 =	sld [smem:$0x0];
	_ =	sdelay $0x2  }
0xb8: {  	s31 =	sshll.u32 s1, $0xD;
	s1 =	sshrl.u32 s1, $0x2  }
0xb9: {  	s3 =	sand.u32 $0x4000, s31;
	s1 =	sadd.s32 s1, s30  }
0xba: {  	s0 =	sor.u32 s3, s0;
	s1 =	sshll.u32 s1, $0x11  }
0xbb: {  	s0 =	sor.u32 s1, s0  }
0xbc: {  	s0 =	sadd.s32 $0x8F2B, s0  }
0xbd: {  	[sflag:s0] =	ssyncadd.remote.s32 $0x1  }
0xbe: {  	_ =	sfence.sel $0xFFFF  }
0xbf: {  	[dreg:$0x0] =	wrdreg $0xFFFFFFFF;
	(pc) =	sbr.abs _section_cstart, $3  }
0xc0: {  	[dreg:$0x1] =	wrdreg $0xFFFFFFFF  }
0xc1: {  	_ =	task.clear_ibuf [dreg:s7], $0x2FFFF;
	_ =	strace $0x9FFFFFFF  }
0xc2: {  	(tm) =	ssettm $0x7FFFFFFF  }
0xc3: {  	_ =	shalt  }
tec
execute0_lowered:
.L_overlay_start_1:
0x0: {  	(tag) =	ssettag $0x1  }
0x1: {  	s5 =	rddreg [dreg:$0x0]  }
0x2: {  	s0 =	srdreg.scid;
	s4 =	rddreg [dreg:$0x1]  }
0x3: {  	s2 =	simm.s32 $0x0;
	s13 =	simm.s32 $0x1;
	s14 =	simm.s32 $0x2  }
0x4: {  	s15 =	simm.s32 $0x3;
	s16 =	simm.s32 $0xC000;
	s18 =	simm.s32 $0xC080  }
0x5: {  	s19 =	simm.s32 $0x0;
	s3 =	sand.u32 $0x1, s0;
	s0 =	stileid.u32  }
0x6: {  	[smem:$0x7FF] =	sst s2;
	s1 =	sshll.u32 s3, $0x4;
	s8 =	sshll.u32 s0, $0x4  }
0x7: {  	s3 =	ssub.s32 $0x2, s3;
	s11 =	sshll.u32 s0, $0x11;
	s6 =	sor.u32 s0, s1  }
0x8: {  	s1 =	rddreg [dreg:$0x2];
	s8 =	sand.u32 $0x70, s8;
	_ =	strace $0x80000047  }
0x9: {  	s10 =	sshrl.u32 s3, $0x1;
	s25 =	sand.u32 $0x20000, s11;
	s7 =	sshll.u32 s6, $0x4  }
0xa: {  	s11 =	simm.s32 $0x4000;
	s22 =	smul.u32 $0x3, s6;
	s7 =	sand.u32 $0x180, s7  }
0xb: {  	s24 =	ssub.s32 s3, s10;
	s17 =	smul.u32 $0xC000, s6;
	s7 =	sor.u32 s8, s7  }
0xc: {  	v0 =	vlaneseq.u32;
	s23 =	sshll.u32 s22, $0xE;
	s9 =	sshll.u32 s22, $0x6;
	s26 =	sadd.s32 $0x1, s22  }
0xd: {  	s8 =	sadd.s32 $0x2, s22;
	v0 =	vor.u32 s17, v0;
	s17 =	simm.s32 $0x4;
	s7 =	sadd.s32 s7, s4  }
0xe: {  	s4 =	sor.u32 s23, s9;
	s28 =	sshll.u32 s26, $0xB;
	s29 =	sshll.u32 s8, $0xE  }
0xf: {  	s8 =	sshll.u32 s8, $0x6;
	s12 =	sshll.u32 s26, $0xE;
	s6 =	sshll.u32 s26, $0x3  }
0x10: {  	s9 =	simm.s32 $0x80;
	s4 =	sand.u32 $0x1C0380, s4;
	s10 =	sand.u32 $0x78000, s28  }
0x11: {  	s8 =	sor.u32 s29, s8;
	s30 =	sand.u32 $0x4000, s12;
	s6 =	sand.u32 $0x70, s6  }
0x12: {  	s12 =	simm.s32 $0x8000;
	s4 =	sor.u32 s25, s4;
	s8 =	sand.u32 $0x7FFC0380, s8  }
0x13: {  	s10 =	sor.u32 s10, s30;
	s6 =	sadd.s32 s5, s6;
	s4 =	sshrl.u32 s4, $0x3  }
0x14: {  	s8 =	sor.u32 s25, s8;
	s3 =	sadd.s32 s5, s4;
	s4 =	sadd.s32 s10, s6  }
0x15: {  	s31 =	sshrl.u32 s8, $0x3;
	s6 =	sadd.s32 $0x1000, s7;
	s7 =	sadd.s32 $0x1200, s7  }
0x16: {  	s8 =	smax.u32 s24, $0x1;
	s10 =	simm.s32 $0x400;
	s5 =	sadd.s32 s5, s31  }
.LBB2_1:
0x17: {  	[tilespmem:s2], [sflag:$0x1] =	stream.strided.gather [hbm4b:s3+s9], $0x4000, s10, s9, $0x38;
	[tilespmem:$0xC100] =	vst v63  }
0x18: {  	_ = 	snop  }
0x19: {  	[tilespmem:s11], [sflag:$0x2] =	stream.strided.gather [hbm4b:s4+s9], $0x4000, s10, s9, $0x38;
	[tilespmem:$0xC100] =	vst v63  }
0x1a: {  	_ = 	snop  }
0x1b: {  	[tilespmem:s12], [sflag:$0x3] =	stream.strided.gather [hbm4b:s5+s9], $0x4000, s10, s9, $0x38;
	[tilespmem:$0xC100] =	vst v63  }
0x1c: {  	_ =	swait.ge [sflag:s13], $0x4000  }
0x1d: {  	[sflag:s13] =	ssyncset.done $0x0  }
0x1e: {  	s20 =	simm.s32 $0x40;
	[sflag:s13] =	ssyncadd.s32 $0xFFFFC000  }
0x1f: {  	v3 =	vld [tilespmem:s20+$0x10]  }
0x20: {  	v2 =	vld [tilespmem:s20+$0xFFFFFFC0]  }
0x21: {  	v4 =	vld [tilespmem:s20+$0xFFFFFFD0]  }
0x22: {  	v5 =	vld [tilespmem:s20+$0xFFFFFFE0]  }
0x23: {  	v7 =	vld [tilespmem:s20+$0xFFFFFFF0]  }
0x24: {  	v6 =	vimm.f32 $-Inf;
	s21 =	simm.s32 $0xC0;
	v8 =	vld [tilespmem:s20+$0x0]  }
0x25: {  	v9 =	vimm.s32 $0x0;
	s22 =	simm.s32 $0x0;
	v1 =	vld [tilespmem:s21+$0x10];
	vm0 =	vgt.f32 v2, v6;
	v2 =	vmax.f32 v6, v2  }
0x26: {  	s28 =	simm.s32 $0x1;
	v6 =	vsel vm0, s22, v9;
	vm0 =	vgt.f32 v4, v2;
	v2 =	vmax.f32 v2, v4;
	v9 =	vld [tilespmem:s20+$0x20]  }
0x27: {  	s29 =	simm.s32 $0x2;
	v10 =	vld [tilespmem:s20+$0x30];
	v4 =	vsel vm0, s28, v6;
	vm0 =	vgt.f32 v5, v2;
	v2 =	vmax.f32 v2, v5  }
0x28: {  	s30 =	simm.s32 $0x3;
	v6 =	vld [tilespmem:s21+$0xFFFFFFC0];
	v5 =	vsel vm0, s29, v4;
	vm0 =	vgt.f32 v7, v2;
	v2 =	vmax.f32 v2, v7  }
0x29: {  	s31 =	simm.s32 $0x4;
	v4 =	vld [tilespmem:s21+$0xFFFFFFD0];
	v5 =	vsel vm0, s30, v5;
	vm0 =	vgt.f32 v8, v2;
	v7 =	vmax.f32 v2, v8  }
0x2a: {  	s23 =	simm.s32 $0x5;
	v2 =	vld [tilespmem:s21+$0xFFFFFFE0];
	v5 =	vsel vm0, s31, v5;
	vm0 =	vgt.f32 v3, v7;
	v7 =	vmax.f32 v7, v3  }
0x2b: {  	s26 =	simm.s32 $0x6;
	s24 =	simm.s32 $0x17;
	s25 =	simm.s32 $0x140;
	v3 =	vld [tilespmem:s21+$0xFFFFFFF0];
	v8 =	vsel vm0, s23, v5;
	vm0 =	vgt.f32 v9, v7;
	v9 =	vmax.f32 v7, v9  }
0x2c: {  	s22 =	simm.s32 $0x7;
	s20 =	simm.s32 $0xF;
	s23 =	simm.s32 $0x8;
	v5 =	vld [tilespmem:s21+$0x0];
	v7 =	vsel vm0, s26, v8;
	vm0 =	vgt.f32 v10, v9;
	v8 =	vmax.f32 v9, v10  }
.LBB2_2:
0x2d: {  	s26 =	sadd.s32 $0xFFFFFFF9, s24;
	p0 =	sne.s32 s24, $0x3FF  }
0x2e: {  	v9 =	vld [tilespmem:s25+$0x10];
	vm1 =	vgt.f32 v6, v8;
	v6 =	vmax.f32 v8, v6;
	v7 =	vsel vm0, s22, v7;
	s22 =	smov.u32 s20;
	s20 =	smov.u32 s24;
	s24 =	sadd.s32 $0x8, s24  }
0x2f: {  	v7 =	vsel vm1, s23, v7;
	s28 =	sadd.s32 $0xFFFFFFFA, s22;
	vm0 =	vgt.f32 v4, v6;
	v4 =	vmax.f32 v6, v4;
	v8 =	vld [tilespmem:s21+$0x20];
	s23 =	smov.u32 s26  }
0x30: {  	s26 =	sadd.s32 $0xFFFFFFFB, s22;
	v7 =	vsel vm0, s28, v7;
	vm0 =	vgt.f32 v2, v4;
	v2 =	vmax.f32 v4, v2;
	v10 =	vld [tilespmem:s21+$0x30];
	s21 =	smov.u32 s25  }
.Ltmp0:
0x31: {  	v6 =	vld [tilespmem:s25+$0xFFFFFFC0];
	v7 =	vsel vm0, s26, v7;
	s26 =	sadd.s32 $0xFFFFFFFC, s22;
	vm0 =	vgt.f32 v3, v2;
	v2 =	vmax.f32 v2, v3;
	(pc) =	sbr.rel @p0 .LBB2_2-.Ltmp0, $4  }
0x32: {  	v4 =	vld [tilespmem:s25+$0xFFFFFFD0];
	v3 =	vsel vm0, s26, v7;
	s26 =	sadd.s32 $0xFFFFFFFD, s22;
	vm0 =	vgt.f32 v5, v2;
	v5 =	vmax.f32 v2, v5  }
0x33: {  	v2 =	vld [tilespmem:s25+$0xFFFFFFE0];
	v7 =	vsel vm0, s26, v3;
	s26 =	sadd.s32 $0xFFFFFFFE, s22;
	vm0 =	vgt.f32 v1, v5;
	v5 =	vmax.f32 v5, v1;
	v1 =	vmovc v9  }
0x34: {  	v3 =	vld [tilespmem:s25+$0xFFFFFFF0];
	v7 =	vsel vm0, s26, v7;
	s26 =	sadd.s32 $0xFFFFFFFF, s22;
	vm0 =	vgt.f32 v8, v5;
	v8 =	vmax.f32 v5, v8  }
0x35: {  	s25 =	sadd.s32 $0x80, s25;
	v5 =	vld [tilespmem:s21+$0x0];
	v7 =	vsel vm0, s26, v7;
	vm0 =	vgt.f32 v10, v8;
	v8 =	vmax.f32 v8, v10  }
0x36: {  	v9 =	vld [tilespmem:s21+$0x20]  }
0x37: {  	v10 =	vld [tilespmem:s21+$0x30];
	_ =	swait.ge [sflag:s14], $0x4000  }
0x38: {  	vm1 =	vgt.f32 v6, v8;
	v6 =	vmax.f32 v8, v6;
	v7 =	vsel vm0, s22, v7;
	[sflag:s14] =	ssyncset.done $0x0  }
0x39: {  	s28 =	sadd.s32 $0xFFFFFFFA, s20;
	v7 =	vsel vm1, s23, v7;
	vm0 =	vgt.f32 v4, v6;
	v4 =	vmax.f32 v6, v4;
	s23 =	simm.s32 $0x4040;
	[sflag:s14] =	ssyncadd.s32 $0xFFFFC000  }
0x3a: {  	s29 =	sadd.s32 $0xFFFFFFFB, s20;
	v6 =	vsel vm0, s28, v7;
	vm0 =	vgt.f32 v2, v4;
	v2 =	vmax.f32 v4, v2;
	v7 =	vld [tilespmem:s23+$0x10]  }
0x3b: {  	s30 =	sadd.s32 $0xFFFFFFFC, s20;
	v4 =	vsel vm0, s29, v6;
	vm0 =	vgt.f32 v3, v2;
	v2 =	vmax.f32 v2, v3;
	v3 =	vld [tilespmem:s23+$0xFFFFFFC0]  }
0x3c: {  	s31 =	sadd.s32 $0xFFFFFFFD, s20;
	v4 =	vsel vm0, s30, v4;
	vm0 =	vgt.f32 v5, v2;
	v2 =	vmax.f32 v2, v5;
	v5 =	vld [tilespmem:s23+$0xFFFFFFD0]  }
0x3d: {  	s22 =	sadd.s32 $0xFFFFFFFE, s20;
	v4 =	vsel vm0, s31, v4;
	vm0 =	vgt.f32 v1, v2;
	v1 =	vmax.f32 v2, v1;
	v2 =	vld [tilespmem:s23+$0xFFFFFFE0]  }
0x3e: {  	s24 =	sadd.s32 $0xFFFFFFFF, s20;
	v8 =	vld [tilespmem:s23+$0xFFFFFFF0];
	v4 =	vsel vm0, s22, v4;
	vm0 =	vgt.f32 v9, v1;
	v1 =	vmax.f32 v1, v9  }
0x3f: {  	v9 =	vld [tilespmem:s23+$0x0];
	s22 =	simm.s32 $0x40C0;
	v4 =	vsel vm0, s24, v4;
	vm0 =	vgt.f32 v10, v1;
	v6 =	vmax.f32 v1, v10  }
0x40: {  	s25 =	simm.s32 $0x400;
	v1 =	vld [tilespmem:s22+$0x10];
	v4 =	vsel vm0, s20, v4;
	vm0 =	vgt.f32 v3, v6;
	v3 =	vmax.f32 v6, v3  }
0x41: {  	s26 =	simm.s32 $0x401;
	v4 =	vsel vm0, s25, v4;
	vm0 =	vgt.f32 v5, v3;
	v3 =	vmax.f32 v3, v5;
	v5 =	vld [tilespmem:s23+$0x20]  }
0x42: {  	s28 =	simm.s32 $0x402;
	v10 =	vld [tilespmem:s23+$0x30];
	v4 =	vsel vm0, s26, v4;
	vm0 =	vgt.f32 v2, v3;
	v2 =	vmax.f32 v3, v2  }
0x43: {  	s29 =	simm.s32 $0x403;
	v6 =	vld [tilespmem:s22+$0xFFFFFFC0];
	v3 =	vsel vm0, s28, v4;
	vm0 =	vgt.f32 v8, v2;
	v2 =	vmax.f32 v2, v8  }
0x44: {  	s30 =	simm.s32 $0x404;
	v4 =	vld [tilespmem:s22+$0xFFFFFFD0];
	v3 =	vsel vm0, s29, v3;
	vm0 =	vgt.f32 v9, v2;
	v8 =	vmax.f32 v2, v9  }
0x45: {  	s31 =	simm.s32 $0x405;
	v2 =	vld [tilespmem:s22+$0xFFFFFFE0];
	v9 =	vsel vm0, s30, v3;
	vm0 =	vgt.f32 v7, v8;
	v7 =	vmax.f32 v8, v7  }
0x46: {  	s21 =	simm.s32 $0x40F;
	s24 =	simm.s32 $0x417;
	s26 =	simm.s32 $0x406;
	v3 =	vld [tilespmem:s22+$0xFFFFFFF0];
	v8 =	vsel vm0, s31, v9;
	vm0 =	vgt.f32 v5, v7;
	v9 =	vmax.f32 v7, v5  }
0x47: {  	s20 =	simm.s32 $0x407;
	s23 =	simm.s32 $0x408;
	s25 =	simm.s32 $0x4140;
	v5 =	vld [tilespmem:s22+$0x0];
	v7 =	vsel vm0, s26, v8;
	vm0 =	vgt.f32 v10, v9;
	v8 =	vmax.f32 v9, v10  }
.LBB2_4:
0x48: {  	s26 =	sadd.s32 $0xFFFFFFF9, s24;
	p0 =	sne.s32 s24, $0x7FF  }
0x49: {  	v9 =	vld [tilespmem:s25+$0x10];
	vm1 =	vgt.f32 v6, v8;
	v6 =	vmax.f32 v8, v6;
	v7 =	vsel vm0, s20, v7;
	s20 =	smov.u32 s21;
	s21 =	smov.u32 s24;
	s24 =	sadd.s32 $0x8, s24  }
0x4a: {  	v7 =	vsel vm1, s23, v7;
	s28 =	sadd.s32 $0xFFFFFFFA, s20;
	vm0 =	vgt.f32 v4, v6;
	v4 =	vmax.f32 v6, v4;
	v8 =	vld [tilespmem:s22+$0x20];
	s23 =	smov.u32 s26  }
0x4b: {  	s26 =	sadd.s32 $0xFFFFFFFB, s20;
	v7 =	vsel vm0, s28, v7;
	vm0 =	vgt.f32 v2, v4;
	v2 =	vmax.f32 v4, v2;
	v10 =	vld [tilespmem:s22+$0x30];
	s22 =	smov.u32 s25  }
.Ltmp1:
0x4c: {  	v6 =	vld [tilespmem:s25+$0xFFFFFFC0];
	v7 =	vsel vm0, s26, v7;
	s26 =	sadd.s32 $0xFFFFFFFC, s20;
	vm0 =	vgt.f32 v3, v2;
	v2 =	vmax.f32 v2, v3;
	(pc) =	sbr.rel @p0 .LBB2_4-.Ltmp1, $4  }
0x4d: {  	v4 =	vld [tilespmem:s25+$0xFFFFFFD0];
	v3 =	vsel vm0, s26, v7;
	s26 =	sadd.s32 $0xFFFFFFFD, s20;
	vm0 =	vgt.f32 v5, v2;
	v5 =	vmax.f32 v2, v5  }
0x4e: {  	v2 =	vld [tilespmem:s25+$0xFFFFFFE0];
	v7 =	vsel vm0, s26, v3;
	s26 =	sadd.s32 $0xFFFFFFFE, s20;
	vm0 =	vgt.f32 v1, v5;
	v5 =	vmax.f32 v5, v1;
	v1 =	vmovc v9  }
0x4f: {  	v3 =	vld [tilespmem:s25+$0xFFFFFFF0];
	v7 =	vsel vm0, s26, v7;
	s26 =	sadd.s32 $0xFFFFFFFF, s20;
	vm0 =	vgt.f32 v8, v5;
	v8 =	vmax.f32 v5, v8  }
0x50: {  	s25 =	sadd.s32 $0x80, s25;
	v5 =	vld [tilespmem:s22+$0x0];
	v7 =	vsel vm0, s26, v7;
	vm0 =	vgt.f32 v10, v8;
	v8 =	vmax.f32 v8, v10  }
0x51: {  	v9 =	vld [tilespmem:s22+$0x20]  }
0x52: {  	v10 =	vld [tilespmem:s22+$0x30];
	_ =	swait.ge [sflag:s15], $0x4000  }
0x53: {  	vm1 =	vgt.f32 v6, v8;
	v6 =	vmax.f32 v8, v6;
	v7 =	vsel vm0, s20, v7;
	[sflag:s15] =	ssyncset.done $0x0  }
0x54: {  	s28 =	sadd.s32 $0xFFFFFFFA, s21;
	s22 =	simm.s32 $0x8040;
	v7 =	vsel vm1, s23, v7;
	vm0 =	vgt.f32 v4, v6;
	v4 =	vmax.f32 v6, v4;
	[sflag:s15] =	ssyncadd.s32 $0xFFFFC000  }
0x55: {  	s29 =	sadd.s32 $0xFFFFFFFB, s21;
	v6 =	vsel vm0, s28, v7;
	vm0 =	vgt.f32 v2, v4;
	v2 =	vmax.f32 v4, v2;
	v4 =	vld [tilespmem:s22+$0x10]  }
0x56: {  	s30 =	sadd.s32 $0xFFFFFFFC, s21;
	v6 =	vsel vm0, s29, v6;
	vm0 =	vgt.f32 v3, v2;
	v2 =	vmax.f32 v2, v3;
	v3 =	vld [tilespmem:s22+$0xFFFFFFC0]  }
0x57: {  	s31 =	sadd.s32 $0xFFFFFFFD, s21;
	v6 =	vsel vm0, s30, v6;
	vm0 =	vgt.f32 v5, v2;
	v2 =	vmax.f32 v2, v5;
	v5 =	vld [tilespmem:s22+$0xFFFFFFD0]  }
0x58: {  	s23 =	sadd.s32 $0xFFFFFFFE, s21;
	v6 =	vsel vm0, s31, v6;
	vm0 =	vgt.f32 v1, v2;
	v1 =	vmax.f32 v2, v1;
	v2 =	vld [tilespmem:s22+$0xFFFFFFE0]  }
0x59: {  	s24 =	sadd.s32 $0xFFFFFFFF, s21;
	v7 =	vld [tilespmem:s22+$0xFFFFFFF0];
	v6 =	vsel vm0, s23, v6;
	vm0 =	vgt.f32 v9, v1;
	v1 =	vmax.f32 v1, v9  }
0x5a: {  	s20 =	simm.s32 $0x80C0;
	v9 =	vld [tilespmem:s22+$0x0];
	v6 =	vsel vm0, s24, v6;
	vm0 =	vgt.f32 v10, v1;
	v8 =	vmax.f32 v1, v10  }
0x5b: {  	s25 =	simm.s32 $0x800;
	v1 =	vld [tilespmem:s20+$0x10];
	v6 =	vsel vm0, s21, v6;
	vm0 =	vgt.f32 v3, v8;
	v3 =	vmax.f32 v8, v3  }
0x5c: {  	s26 =	simm.s32 $0x801;
	v8 =	vld [tilespmem:s22+$0x20];
	v6 =	vsel vm0, s25, v6;
	vm0 =	vgt.f32 v5, v3;
	v3 =	vmax.f32 v3, v5  }
0x5d: {  	s28 =	simm.s32 $0x802;
	v10 =	vld [tilespmem:s22+$0x30];
	v6 =	vsel vm0, s26, v6;
	vm0 =	vgt.f32 v2, v3;
	v2 =	vmax.f32 v3, v2  }
0x5e: {  	s29 =	simm.s32 $0x803;
	v5 =	vld [tilespmem:s20+$0xFFFFFFC0];
	v6 =	vsel vm0, s28, v6;
	vm0 =	vgt.f32 v7, v2;
	v2 =	vmax.f32 v2, v7  }
0x5f: {  	s30 =	simm.s32 $0x804;
	v3 =	vld [tilespmem:s20+$0xFFFFFFD0];
	v6 =	vsel vm0, s29, v6;
	vm0 =	vgt.f32 v9, v2;
	v7 =	vmax.f32 v2, v9  }
0x60: {  	s31 =	simm.s32 $0x805;
	v2 =	vld [tilespmem:s20+$0xFFFFFFE0];
	v6 =	vsel vm0, s30, v6;
	vm0 =	vgt.f32 v4, v7;
	v7 =	vmax.f32 v7, v4  }
0x61: {  	s23 =	simm.s32 $0x808;
	s24 =	simm.s32 $0x817;
	s26 =	simm.s32 $0x806;
	v4 =	vld [tilespmem:s20+$0xFFFFFFF0];
	v9 =	vsel vm0, s31, v6;
	vm0 =	vgt.f32 v8, v7;
	v8 =	vmax.f32 v7, v8  }
0x62: {  	s22 =	simm.s32 $0x807;
	s21 =	simm.s32 $0x80F;
	s25 =	simm.s32 $0x8140;
	v6 =	vld [tilespmem:s20+$0x0];
	v7 =	vsel vm0, s26, v9;
	vm0 =	vgt.f32 v10, v8;
	v8 =	vmax.f32 v8, v10  }
.LBB2_6:
0x63: {  	s26 =	sadd.s32 $0xFFFFFFF9, s24;
	p0 =	sne.s32 s24, $0xBFF  }
0x64: {  	v9 =	vld [tilespmem:s25+$0x10];
	vm1 =	vgt.f32 v5, v8;
	v5 =	vmax.f32 v8, v5;
	v7 =	vsel vm0, s22, v7;
	s22 =	smov.u32 s21;
	s21 =	smov.u32 s24;
	s24 =	sadd.s32 $0x8, s24  }
0x65: {  	v7 =	vsel vm1, s23, v7;
	s28 =	sadd.s32 $0xFFFFFFFA, s22;
	vm0 =	vgt.f32 v3, v5;
	v3 =	vmax.f32 v5, v3;
	v8 =	vld [tilespmem:s20+$0x20];
	s23 =	smov.u32 s26  }
0x66: {  	s26 =	sadd.s32 $0xFFFFFFFB, s22;
	v7 =	vsel vm0, s28, v7;
	vm0 =	vgt.f32 v2, v3;
	v2 =	vmax.f32 v3, v2;
	v10 =	vld [tilespmem:s20+$0x30];
	s20 =	smov.u32 s25  }
.Ltmp2:
0x67: {  	v5 =	vld [tilespmem:s25+$0xFFFFFFC0];
	v7 =	vsel vm0, s26, v7;
	s26 =	sadd.s32 $0xFFFFFFFC, s22;
	vm0 =	vgt.f32 v4, v2;
	v2 =	vmax.f32 v2, v4;
	(pc) =	sbr.rel @p0 .LBB2_6-.Ltmp2, $4  }
0x68: {  	v3 =	vld [tilespmem:s25+$0xFFFFFFD0];
	v4 =	vsel vm0, s26, v7;
	s26 =	sadd.s32 $0xFFFFFFFD, s22;
	vm0 =	vgt.f32 v6, v2;
	v6 =	vmax.f32 v2, v6  }
0x69: {  	v2 =	vld [tilespmem:s25+$0xFFFFFFE0];
	v7 =	vsel vm0, s26, v4;
	s26 =	sadd.s32 $0xFFFFFFFE, s22;
	vm0 =	vgt.f32 v1, v6;
	v6 =	vmax.f32 v6, v1;
	v1 =	vmovc v9  }
0x6a: {  	v4 =	vld [tilespmem:s25+$0xFFFFFFF0];
	v7 =	vsel vm0, s26, v7;
	s26 =	sadd.s32 $0xFFFFFFFF, s22;
	vm0 =	vgt.f32 v8, v6;
	v8 =	vmax.f32 v6, v8  }
0x6b: {  	s25 =	sadd.s32 $0x80, s25;
	v6 =	vld [tilespmem:s20+$0x0];
	v7 =	vsel vm0, s26, v7;
	vm0 =	vgt.f32 v10, v8;
	v8 =	vmax.f32 v8, v10  }
0x6c: {  	vm1 =	vgt.f32 v5, v8;
	v61 =	vmax.f32 v8, v5;
	v7 =	vsel vm0, s22, v7  }
0x6d: {  	s25 =	sadd.s32 $0xFFFFFFFA, s21;
	v62 =	vld [tilespmem:s20+$0x20];
	v7 =	vsel vm1, s23, v7;
	vm9 =	vgt.f32 v3, v61;
	v3 =	vmax.f32 v61, v3  }
0x6e: {  	s26 =	sadd.s32 $0xFFFFFFFB, s21;
	v7 =	vsel vm9, s25, v7;
	vm10 =	vgt.f32 v2, v3;
	v2 =	vmax.f32 v3, v2;
	v3 =	vld [tilespmem:s20+$0x30]  }
0x6f: {  	s28 =	sadd.s32 $0xFFFFFFFC, s21;
	v7 =	vsel vm10, s26, v7;
	vm11 =	vgt.f32 v4, v2;
	v2 =	vmax.f32 v2, v4  }
0x70: {  	s29 =	sadd.s32 $0xFFFFFFFD, s21;
	v63 =	vsel vm11, s28, v7;
	vm12 =	vgt.f32 v6, v2;
	v2 =	vmax.f32 v2, v6  }
0x71: {  	s30 =	sadd.s32 $0xFFFFFFFE, s21;
	v4 =	vsel vm12, s29, v63;
	vm13 =	vgt.f32 v1, v2;
	v1 =	vmax.f32 v2, v1  }
0x72: {  	s31 =	sadd.s32 $0xFFFFFFFF, s21;
	v2 =	vsel vm13, s30, v4;
	vm14 =	vgt.f32 v62, v1;
	v1 =	vmax.f32 v1, v62  }
0x73: {  	v2 =	vsel vm14, s31, v2;
	vm15 =	vgt.f32 v3, v1  }
0x74: {  	v2 =	vsel vm15, s21, v2  }
0x75: {  	v1 =	vmax.f32 v1, v3;
	v2 =	vshll.u32 v2, $0x4  }
0x76: {  	[tilespmem:$0xC000] =	vst v1;
	v1 =	vadd.s32 v2, v0  }
0x77: {  	[tilespmem:$0xC080] =	vst v1  }
0x78: {  	[hbm4b:s6+s2] =	stream.linear.scatter [tilespmem:s16], [sflag:$0x4], $0x80, $0x38;
	[tilespmem:$0xC100] =	vst v63  }
0x79: {  	s19 =	sadd.s32 $0x1, s19;
	_ =	swait.ge [sflag:s17], $0x80  }
0x7a: {  	p0 =	sne.s32 s19, s8;
	[sflag:s17] =	ssyncset.done $0x0  }
.Ltmp3:
0x7b: {  	[sflag:s17] =	ssyncadd.s32 $0xFFFFFF80;
	(pc) =	sbr.rel @p0 .LBB2_1-.Ltmp3, $4  }
0x7c: {  	[hbm4b:s7+s2] =	stream.linear.scatter [tilespmem:s18], [sflag:$0x4], $0x80, $0x38;
	[tilespmem:$0xC100] =	vst v63  }
0x7d: {  	_ =	swait.ge [sflag:s17], $0x80  }
0x7e: {  	[sflag:s17] =	ssyncset.done $0x0  }
0x7f: {  	[sflag:s17] =	ssyncadd.s32 $0xFFFFFF80  }
0x80: {  	_ =	sfence.sel $0x180000  }
0x81: {  	[bflag:$0x0] =	sbarrier.arrive $0xFFFF  }
0x82: {  	p0 =	sne.s32 s0, $0x0;
	_ =	strace $0x90000047  }
0x83: {  	s0 =	sadd.s32 @!p0 $0x100000, s1;
	[bflag:$0x2] =	sbarrier.arrive $0xFFFF  }
0x84: {  	[sflag:s0] =	ssyncadd.tile.s32 @!p0 $0x1;
	_ =	shalt  }
.Lfunc_end2:
_tile_overlayer_lowered:
.L_overlay_start_2:
0x85: {  	(tag) =	ssettag $0x2  }
0x86: {  	s0 =	rddreg [dreg:$0x0];
	s2 =	stileid.u32  }
0x87: {  	s1 =	rddreg [dreg:$0x1];
	p0 =	sne.s32 s2, $0x0  }
0x88: {  	s3 =	rddreg [dreg:$0x2];
	[bflag:$0x3] =	sbarrier.arrive $0xFFFF;
	s2 =	simm.s32 @!p0 $0x1C04  }
0x89: {  	[timem:s3], [sflag:s2] =	dma.local @!p0 [hbm:s0], s1  }
0x8a: {  	s0 =	simm.s32 @!p0 $0x4  }
0x8b: {  	_ =	swait.ge @!p0 [sflag:s0], s1  }
0x8c: {  	s1 =	ssub.s32 @!p0 $0x0, s1;
	[sflag:s0] =	ssyncset.done @!p0 $0x0  }
0x8d: {  	[sflag:s0] =	ssyncadd.s32 @!p0 s1  }
0x8e: {  	[bflag:$0x3] =	sbarrier.arrive $0xFFFF  }
0x8f: {  	_ =	shalt  }

</sc_bundles>
